<compile_context>
chip_gen: v7x
topology: tpu7x:2x2x1
jax: 0.10.2.dev20260603
libtpu: 0.0.44.dev20260713+nightly
codegen_flags: <defaults>
</compile_context>

<pallas_src>
import functools

import jax
import jax.numpy as jnp
from jax import lax
from jax.experimental import pallas as pl
from jax.experimental.pallas import tpu as pltpu
from jax.experimental.pallas import tpu_sc as plsc

D = 64
CTX = 10
NNEG = 20

NC = 2
NS = 16
NW = NC * NS
L = 16


def _worker_gather(B, spw, tab_h, base, ibufs, bufs, sems, n_slots,
                   build, scatter):
  def fire(j, slot):
    build(j, ibufs[slot])
    pltpu.async_copy(tab_h.at[ibufs[slot]], bufs[slot], sems[slot])

  def drain(j, slot):
    pltpu.make_async_copy(tab_h.at[ibufs[slot]], bufs[slot],
                          sems[slot]).wait()
    scatter(j, bufs[slot])

  if n_slots == 1:
    fire(0, 0)
    drain(0, 0)
    return

  fire(0, 0)

  def body(k, carry):
    j0 = k * 2
    fire(j0 + 1, 1)
    drain(j0, 0)

    @pl.when(k < n_slots // 2 - 1)
    def _():
      fire(j0 + 2, 0)

    drain(j0 + 1, 1)
    return carry

  lax.fori_loop(0, n_slots // 2, body, 0)


def _gather_scratch(spw):
  return [
      pltpu.VMEM((spw,), jnp.int32),
      pltpu.VMEM((spw,), jnp.int32),
      pltpu.VMEM((spw, D), jnp.float32),
      pltpu.VMEM((spw, D), jnp.float32),
      pltpu.SemaphoreType.DMA,
      pltpu.SemaphoreType.DMA,
  ]


_SC_PARAMS = dict(
    compiler_params=pltpu.CompilerParams(use_tc_tiling_on_sc=False,
                                         needs_layout_passes=False))


def _sc_gather_ctx(i_emb, ctx_ids):
  B = ctx_ids.shape[0] // CTX
  spw = B // NW

  mesh = plsc.VectorSubcoreMesh(core_axis_name="c", subcore_axis_name="s")

  @functools.partial(
      pl.kernel, mesh=mesh,
      out_type=jax.ShapeDtypeStruct((CTX // 2 * B, 2 * D), jnp.float32),
      scratch_types=_gather_scratch(spw), **_SC_PARAMS)
  def gather_k(i_emb_h, ctx_ids_h, ctx_out, i0, i1, buf0, buf1, sem0, sem1):
    wid = lax.axis_index("s") * NC + lax.axis_index("c")
    base = wid * spw

    def build(j, ibuf):
      pltpu.sync_copy(ctx_ids_h.at[pl.ds(j * B + base, spw)], ibuf)

    def scatter(j, buf):
      pltpu.sync_copy(buf, ctx_out.at[pl.ds((j // 2) * B + base, spw),
                                      pl.ds((j % 2) * D, D)])

    _worker_gather(B, spw, i_emb_h, base, (i0, i1), (buf0, buf1),
                   (sem0, sem1), CTX, build, scatter)

  return gather_k(i_emb, ctx_ids)


def _sc_gather_tn(o_emb, tgt_ids, neg_ids, dep):
  B = tgt_ids.shape[0]
  spw = B // NW

  mesh = plsc.VectorSubcoreMesh(core_axis_name="c", subcore_axis_name="s")

  @functools.partial(
      pl.kernel, mesh=mesh,
      out_type=[
          jax.ShapeDtypeStruct((B, D), jnp.float32),
          jax.ShapeDtypeStruct((NNEG // 2 * B, 2 * D), jnp.float32),
      ],
      scratch_types=_gather_scratch(spw), **_SC_PARAMS)
  def gather_k(o_emb_h, tgt_ids_h, neg_ids_h, dep_h, tgt_out, neg_out,
               i0, i1, buf0, buf1, sem0, sem1):
    del dep_h
    wid = lax.axis_index("s") * NC + lax.axis_index("c")
    base = wid * spw
    ibufs = (i0, i1)
    bufs = (buf0, buf1)
    sems = (sem0, sem1)

    _worker_gather(
        B, spw, o_emb_h, base, ibufs, bufs, sems, 1,
        lambda j, ibuf: pltpu.sync_copy(tgt_ids_h.at[pl.ds(base, spw)],
                                        ibuf),
        lambda j, buf: pltpu.sync_copy(buf, tgt_out.at[pl.ds(base, spw)]))
    _worker_gather(
        B, spw, o_emb_h, base, ibufs, bufs, sems, NNEG,
        lambda j, ibuf: pltpu.sync_copy(
            neg_ids_h.at[pl.ds(j * B + base, spw)], ibuf),
        lambda j, buf: pltpu.sync_copy(
            buf, neg_out.at[pl.ds((j // 2) * B + base, spw),
                            pl.ds((j % 2) * D, D)]))

  return gather_k(o_emb, tgt_ids, neg_ids, dep)


def _attn_body(ctx_ref, W1_ref, b1_ref, W2_ref, b2_ref, e_ref, attn2_ref):
  f32 = jnp.float32

  hp = jnp.dot(ctx_ref[0], W1_ref[pl.ds(0, 2 * D), :],
               preferred_element_type=f32)
  for jp in range(1, CTX // 2):
    hp = hp + jnp.dot(ctx_ref[jp], W1_ref[pl.ds(jp * 2 * D, 2 * D), :],
                      preferred_element_type=f32)
  h = jnp.tanh(hp + b1_ref[...])
  logits = jnp.dot(h, W2_ref[...],
                   preferred_element_type=f32) + b2_ref[...]
  a = jax.nn.softmax(logits, axis=-1)

  a128 = jnp.concatenate(
      [a, jnp.zeros(a.shape[:1] + (2 * D - CTX,), f32)], axis=1)
  attn128 = jnp.zeros(hp.shape[:1] + (2 * D,), f32)
  for jp in range(CTX // 2):
    aw = jnp.dot(a128, e_ref[:, pl.ds(jp * 2 * D, 2 * D)],
                 preferred_element_type=f32)
    attn128 = attn128 + aw * ctx_ref[jp]
  attn = attn128[:, 0:D] + attn128[:, D:2 * D]
  attn2_ref[...] = jnp.concatenate([attn, attn], axis=1)


def _loss_body(tgt_ref, neg_ref, attn2_ref, seg_ref, out_ref):
  f32 = jnp.float32
  attn2 = attn2_ref[...]

  seg = seg_ref[...]
  pos_dot = jnp.sum(tgt_ref[...] * attn2[:, 0:D], axis=1,
                    keepdims=True)
  nds = [jnp.dot(neg_ref[k] * attn2, seg,
                 preferred_element_type=f32)[:, 0:2]
         for k in range(NNEG // 2)]
  all_dots = jnp.concatenate([pos_dot] + [-n for n in nds], axis=1)

  acc = jnp.sum(jnp.log(jax.nn.sigmoid(all_dots)))

  @pl.when(pl.program_id(0) == 0)
  def _():
    out_ref[0, 0] = 0.0

  out_ref[0, 0] += acc


def _seg_matrix():
  rows = jnp.arange(2 * D)[:, None]
  cols = jnp.arange(2 * D)[None, :]
  return jnp.where(cols == 0, rows < D,
                   jnp.where(cols == 1, rows >= D, False)
                   ).astype(jnp.float32)


def _e_matrix():
  rows = jnp.arange(2 * D)[:, None]
  cols = jnp.arange(CTX // 2 * 2 * D)[None, :]
  jp = cols // (2 * D)
  lane = cols % (2 * D)
  return (rows == 2 * jp + (lane >= D)).astype(jnp.float32)


def kernel(target_wids, context_wids, neg_wids, i_emb, o_emb, W1, b1, W2, b2):
  B = target_wids.shape[0]
  ctx_ids = context_wids.astype(jnp.int32).T.reshape(-1)
  tgt_ids = target_wids.astype(jnp.int32)
  neg_ids = neg_wids.astype(jnp.int32).T.reshape(-1)

  ctx_pair = _sc_gather_ctx(i_emb, ctx_ids)
  ctx3 = ctx_pair.reshape(CTX // 2, B, 2 * D)
  tgt, neg_pair = _sc_gather_tn(o_emb, tgt_ids, neg_ids,
                                ctx_pair[:1])
  neg3 = neg_pair.reshape(NNEG // 2, B, 2 * D)

  bB = 2048
  grid = B // bB
  attn2 = pl.pallas_call(
      _attn_body,
      grid=(grid,),
      in_specs=[
          pl.BlockSpec((CTX // 2, bB, 2 * D), lambda i: (0, i, 0)),
          pl.BlockSpec((CTX * D, 50), lambda i: (0, 0)),
          pl.BlockSpec((1, 50), lambda i: (0, 0)),
          pl.BlockSpec((50, CTX), lambda i: (0, 0)),
          pl.BlockSpec((1, CTX), lambda i: (0, 0)),
          pl.BlockSpec((2 * D, CTX // 2 * 2 * D), lambda i: (0, 0)),
      ],
      out_specs=pl.BlockSpec((bB, 2 * D), lambda i: (i, 0)),
      out_shape=jax.ShapeDtypeStruct((B, 2 * D), jnp.float32),
  )(ctx3, W1, b1.reshape(1, 50), W2, b2.reshape(1, CTX), _e_matrix())

  loss = pl.pallas_call(
      _loss_body,
      grid=(grid,),
      in_specs=[
          pl.BlockSpec((bB, D), lambda i: (i, 0)),
          pl.BlockSpec((NNEG // 2, bB, 2 * D), lambda i: (0, i, 0)),
          pl.BlockSpec((bB, 2 * D), lambda i: (i, 0)),
          pl.BlockSpec((2 * D, 2 * D), lambda i: (0, 0)),
      ],
      out_specs=pl.BlockSpec((1, 1), lambda i: (0, 0),
                             memory_space=pltpu.SMEM),
      out_shape=jax.ShapeDtypeStruct((1, 1), jnp.float32),
  )(tgt, neg3, attn2, _seg_matrix())

  return -loss[0, 0]

# --- scband reference (transcript-rebuilt; emitter-appended) ---
"""Pipeline reference for scband-sift-gram-2336462209231 (READ-ONLY COPY).

The authoritative reference and input builder live on the scoring server;
editing this copy changes nothing except your own understanding.
"""

import jax, jax.numpy as jnp
import numpy as np

VOCAB = 100000
D = 64
B = 16384
CTX = 10
NNEG = 20

def setup_inputs(seed: int = 0) -> dict:
    key = jax.random.key(seed)
    ks = jax.random.split(key, 9)
    target_wids = jax.random.randint(ks[0], (B,), 0, VOCAB)
    context_wids = jax.random.randint(ks[1], (B, CTX), 0, VOCAB)
    # negative ids: torch draws these inside forward (USE_WEIGHTS=False -> uniform over vocab);
    # materialized here for determinism
    neg_wids = jax.random.randint(ks[2], (B, NNEG), 0, VOCAB)
    i_emb = jax.random.normal(ks[3], (VOCAB + 1, D), jnp.float32) * 0.05
    o_emb = jax.random.normal(ks[4], (VOCAB + 1, D), jnp.float32) * 0.05
    W1 = jax.random.normal(ks[5], (D * CTX, 50), jnp.float32) * 0.04
    b1 = jnp.zeros((50,), jnp.float32)
    W2 = jax.random.normal(ks[6], (50, CTX), jnp.float32) * 0.1
    b2 = jnp.zeros((CTX,), jnp.float32)
    return {"target_wids": target_wids, "context_wids": context_wids, "neg_wids": neg_wids,
            "i_emb": i_emb, "o_emb": o_emb, "W1": W1, "b1": b1, "W2": W2, "b2": b2}

def reference(target_wids, context_wids, neg_wids, i_emb, o_emb, W1, b1, W2, b2):
    Bs = target_wids.shape[0]
    # embedding gathers
    other_ctx = jnp.take(o_emb, context_wids, axis=0)        # [B, CTX, D] (computed but unused in self_con attn path, as in torch)
    ctx = jnp.take(i_emb, context_wids, axis=0)              # [B, CTX, D]
    tgt = jnp.take(o_emb, target_wids, axis=0)[:, None, :]   # [B, 1, D]
    neg = jnp.take(o_emb, neg_wids, axis=0)                  # [B, NNEG, D]
    # Attention 'self_con': MLP over flattened context embeddings
    h = jnp.tanh(ctx.reshape(Bs, -1) @ W1 + b1)              # [B, 50]
    a = jax.nn.softmax(h @ W2 + b2, axis=-1)[:, None, :]     # [B, 1, CTX]
    attn_ctx = jnp.matmul(a, ctx).reshape(Bs, -1, 1)         # [B, D, 1]
    pos_loss = jnp.sum(jnp.log(jax.nn.sigmoid(jnp.matmul(tgt, attn_ctx))))
    neg_loss = jnp.sum(jnp.log(jax.nn.sigmoid(jnp.matmul(-neg, attn_ctx))))
    _ = other_ctx  # keep gather for faithfulness
    return -(pos_loss + neg_loss)

if __name__ == "__main__":
    import jax
    _d = setup_inputs()
    print(jax.jit(kernel)(*tuple(_d.values())))

</pallas_src>

<mosaic_0001>
#map = affine_map<(d0, d1) -> (0, 0)>
#map1 = affine_map<(d0, d1) -> (0)>
module attributes {stable_mosaic.version = 14 : i64} {
  func.func @gather_k(%arg0: i32, %arg1: i32, %arg2: memref<100001x64xf32, #tpu.memory_space<hbm>>, %arg3: memref<163840xi32, #tpu.memory_space<hbm>>, %arg4: memref<81920x128xf32, #tpu.memory_space<hbm>>, %arg5: memref<512xi32, #tpu.memory_space<vmem>>, %arg6: memref<512xi32, #tpu.memory_space<vmem>>, %arg7: memref<512x64xf32, #tpu.memory_space<vmem>>, %arg8: memref<512x64xf32, #tpu.memory_space<vmem>>, %arg9: memref<!tpu.dma_semaphore, #tpu.memory_space<semaphore_mem>>, %arg10: memref<!tpu.dma_semaphore, #tpu.memory_space<semaphore_mem>>) attributes {dimension_semantics = [#tpu.dimension_semantics<core_parallel>, #tpu.dimension_semantics<subcore_parallel>], iteration_bounds = array<i64: 2, 16>, scalar_prefetch = 0 : i64, scratch_operands = 6 : i64, tpu.core_type = #tpu.core_type<sc_vector_subcore>, window_params = [{transform_indices = #map}, {transform_indices = #map1}, {transform_indices = #map}]} {
    %mul3A = arith.constant 2 : i32
    %mul3A_0 = arith.muli %arg1, %mul3A : i32
    %add3A = arith.addi %mul3A_0, %arg0 : i32
    %mul3A_1 = arith.constant 512 : i32
    %mul3A_2 = arith.muli %add3A, %mul3A_1 : i32
    %add3A_3 = arith.constant 0 : i32
    %add3A_4 = arith.addi %add3A_3, %mul3A_2 : i32
    "tpu.region"() ({
      %run_scoped3A = tpu.sem_alloc : memref<!tpu.dma_semaphore, #tpu.memory_space<semaphore_mem>>
      %dma_start3A_12 = tpu.memref_slice %arg3[%add3A_4] : memref<163840xi32, #tpu.memory_space<hbm>> -> memref<512xi32, #tpu.memory_space<hbm>>
      %dma_start3A_13 = tpu.memref_slice %arg3[%add3A_4] : memref<163840xi32, #tpu.memory_space<hbm>> -> memref<512xi32, #tpu.memory_space<hbm>>
      tpu.enqueue_dma source(%dma_start3A_13 : memref<512xi32, #tpu.memory_space<hbm>>) target(%arg5 : memref<512xi32, #tpu.memory_space<vmem>>) target_semaphore(%run_scoped3A : memref<!tpu.dma_semaphore, #tpu.memory_space<semaphore_mem>>)
      %dma_wait3A = tpu.memref_slice %arg3[%add3A_4] : memref<163840xi32, #tpu.memory_space<hbm>> -> memref<512xi32, #tpu.memory_space<hbm>>
      %dma_wait3A_14 = tpu.memref_slice %arg3[%add3A_4] : memref<163840xi32, #tpu.memory_space<hbm>> -> memref<512xi32, #tpu.memory_space<hbm>>
      tpu.wait_dma2 semaphore(%run_scoped3A : memref<!tpu.dma_semaphore, #tpu.memory_space<semaphore_mem>>) src(%dma_wait3A_14 : memref<512xi32, #tpu.memory_space<hbm>>) dst(%arg5 : memref<512xi32, #tpu.memory_space<vmem>>)
      tpu.yield
    }) : () -> ()
    %dma_start3A = arith.constant 0 : i32
    %dma_start3A_5 = arith.constant 0 : i32
    %dma_start3A_6 = tpu.memref_slice %arg2[%dma_start3A, %dma_start3A_5] : memref<100001x64xf32, #tpu.memory_space<hbm>> -> memref<100001x64xf32, #tpu.memory_space<hbm>>
    tpu.enqueue_indirect_dma source(%dma_start3A_6 : memref<100001x64xf32, #tpu.memory_space<hbm>>) target(%arg7 : memref<512x64xf32, #tpu.memory_space<vmem>>) offsets(%arg5 : memref<512xi32, #tpu.memory_space<vmem>>) semaphore(%arg9 : memref<!tpu.dma_semaphore, #tpu.memory_space<semaphore_mem>>)
    %scan3A = arith.constant 0 : i32
    %scan3A_7 = arith.constant 0 : i32
    %scan3A_8 = arith.constant 5 : i32
    %scan3A_9 = arith.addi %scan3A_7, %scan3A_8 : i32
    %scan3A_10 = arith.constant 1 : i32
    scf.for %scan3A_12 = %scan3A_7 to %scan3A_9 step %scan3A_10  : i32 {
      %mul3A_13 = arith.constant 2 : i32
      %mul3A_14 = arith.muli %scan3A_12, %mul3A_13 : i32
      %add3A_15 = arith.constant 1 : i32
      %add3A_16 = arith.addi %mul3A_14, %add3A_15 : i32
      %mul3A_17 = arith.constant 16384 : i32
      %mul3A_18 = arith.muli %add3A_16, %mul3A_17 : i32
      %add3A_19 = arith.addi %mul3A_18, %mul3A_2 : i32
      "tpu.region"() ({
        %run_scoped3A = tpu.sem_alloc : memref<!tpu.dma_semaphore, #tpu.memory_space<semaphore_mem>>
        %dma_start3A_113 = tpu.memref_slice %arg3[%add3A_19] : memref<163840xi32, #tpu.memory_space<hbm>> -> memref<512xi32, #tpu.memory_space<hbm>>
        %dma_start3A_114 = tpu.memref_slice %arg3[%add3A_19] : memref<163840xi32, #tpu.memory_space<hbm>> -> memref<512xi32, #tpu.memory_space<hbm>>
        tpu.enqueue_dma source(%dma_start3A_114 : memref<512xi32, #tpu.memory_space<hbm>>) target(%arg6 : memref<512xi32, #tpu.memory_space<vmem>>) target_semaphore(%run_scoped3A : memref<!tpu.dma_semaphore, #tpu.memory_space<semaphore_mem>>)
        %dma_wait3A_115 = tpu.memref_slice %arg3[%add3A_19] : memref<163840xi32, #tpu.memory_space<hbm>> -> memref<512xi32, #tpu.memory_space<hbm>>
        %dma_wait3A_116 = tpu.memref_slice %arg3[%add3A_19] : memref<163840xi32, #tpu.memory_space<hbm>> -> memref<512xi32, #tpu.memory_space<hbm>>
        tpu.wait_dma2 semaphore(%run_scoped3A : memref<!tpu.dma_semaphore, #tpu.memory_space<semaphore_mem>>) src(%dma_wait3A_116 : memref<512xi32, #tpu.memory_space<hbm>>) dst(%arg6 : memref<512xi32, #tpu.memory_space<vmem>>)
        tpu.yield
      }) : () -> ()
      %dma_start3A_20 = arith.constant 0 : i32
      %dma_start3A_21 = arith.constant 0 : i32
      %dma_start3A_22 = tpu.memref_slice %arg2[%dma_start3A_20, %dma_start3A_21] : memref<100001x64xf32, #tpu.memory_space<hbm>> -> memref<100001x64xf32, #tpu.memory_space<hbm>>
      tpu.enqueue_indirect_dma source(%dma_start3A_22 : memref<100001x64xf32, #tpu.memory_space<hbm>>) target(%arg8 : memref<512x64xf32, #tpu.memory_space<vmem>>) offsets(%arg6 : memref<512xi32, #tpu.memory_space<vmem>>) semaphore(%arg10 : memref<!tpu.dma_semaphore, #tpu.memory_space<semaphore_mem>>)
      %dma_wait3A = arith.constant 0 : i32
      %dma_wait3A_23 = arith.constant 0 : i32
      %dma_wait3A_24 = tpu.memref_slice %arg2[%dma_wait3A, %dma_wait3A_23] : memref<100001x64xf32, #tpu.memory_space<hbm>> -> memref<100001x64xf32, #tpu.memory_space<hbm>>
      tpu.wait_indirect_dma semaphore(%arg9 : memref<!tpu.dma_semaphore, #tpu.memory_space<semaphore_mem>>) src(%dma_wait3A_24 : memref<100001x64xf32, #tpu.memory_space<hbm>>) dst(%arg7 : memref<512x64xf32, #tpu.memory_space<vmem>>)
      %jit3A = arith.constant 2 : i32
      %div3A = arith.divsi %mul3A_14, %jit3A : i32
      %sign3A = arith.constant 0 : i32
      %sign3A_25 = arith.cmpi sgt, %mul3A_14, %sign3A : i32
      %sign3A_26 = arith.extui %sign3A_25 : i1 to i32
      %sign3A_27 = arith.constant 0 : i32
      %sign3A_28 = arith.cmpi slt, %mul3A_14, %sign3A_27 : i32
      %sign3A_29 = arith.extui %sign3A_28 : i1 to i32
      %sign3A_30 = arith.subi %sign3A_26, %sign3A_29 : i32
      %sign3A_31 = arith.constant 0 : i32
      %sign3A_32 = arith.cmpi sgt, %jit3A, %sign3A_31 : i32
      %sign3A_33 = arith.extui %sign3A_32 : i1 to i32
      %sign3A_34 = arith.constant 0 : i32
      %sign3A_35 = arith.cmpi slt, %jit3A, %sign3A_34 : i32
      %sign3A_36 = arith.extui %sign3A_35 : i1 to i32
      %sign3A_37 = arith.subi %sign3A_33, %sign3A_36 : i32
      %ne3A = arith.cmpi ne, %sign3A_30, %sign3A_37 : i32
      %rem3A = arith.remsi %mul3A_14, %jit3A : i32
      %ne3A_38 = arith.constant 0 : i32
      %ne3A_39 = arith.cmpi ne, %rem3A, %ne3A_38 : i32
      %and3A = arith.andi %ne3A, %ne3A_39 : i1
      %sub3A = arith.constant 1 : i32
      %sub3A_40 = arith.subi %div3A, %sub3A : i32
      %select_n3A = arith.select %and3A, %sub3A_40, %div3A : i32
      %mul3A_41 = arith.constant 16384 : i32
      %mul3A_42 = arith.muli %select_n3A, %mul3A_41 : i32
      %add3A_43 = arith.addi %mul3A_42, %mul3A_2 : i32
      %jit3A_44 = arith.constant 2 : i32
      %eq3A = arith.constant 0 : i32
      %eq3A_45 = arith.cmpi eq, %jit3A_44, %eq3A : i32
      %jit3A_46 = arith.constant 1 : i32
      %select_n3A_47 = arith.select %eq3A_45, %jit3A_46, %jit3A_44 : i32
      %rem3A_48 = arith.remsi %mul3A_14, %select_n3A_47 : i32
      %ne3A_49 = arith.constant 0 : i32
      %ne3A_50 = arith.cmpi ne, %rem3A_48, %ne3A_49 : i32
      %lt3A = arith.constant 0 : i32
      %lt3A_51 = arith.cmpi slt, %rem3A_48, %lt3A : i32
      %lt3A_52 = arith.constant 0 : i32
      %lt3A_53 = arith.cmpi slt, %select_n3A_47, %lt3A_52 : i32
      %ne3A_54 = arith.xori %lt3A_51, %lt3A_53 : i1
      %and3A_55 = arith.andi %ne3A_54, %ne3A_50 : i1
      %add3A_56 = arith.addi %rem3A_48, %select_n3A_47 : i32
      %select_n3A_57 = arith.select %and3A_55, %add3A_56, %rem3A_48 : i32
      %mul3A_58 = arith.constant 64 : i32
      %mul3A_59 = arith.muli %select_n3A_57, %mul3A_58 : i32
      "tpu.region"() ({
        %run_scoped3A = tpu.sem_alloc : memref<!tpu.dma_semaphore, #tpu.memory_space<semaphore_mem>>
        %dma_start3A_113 = tpu.memref_slice %arg4[%add3A_43, %mul3A_59] : memref<81920x128xf32, #tpu.memory_space<hbm>> -> memref<512x64xf32, #tpu.memory_space<hbm>>
        %dma_start3A_114 = tpu.memref_slice %arg4[%add3A_43, %mul3A_59] : memref<81920x128xf32, #tpu.memory_space<hbm>> -> memref<512x64xf32, #tpu.memory_space<hbm>>
        tpu.enqueue_dma source(%arg7 : memref<512x64xf32, #tpu.memory_space<vmem>>) target(%dma_start3A_114 : memref<512x64xf32, #tpu.memory_space<hbm>>) target_semaphore(%run_scoped3A : memref<!tpu.dma_semaphore, #tpu.memory_space<semaphore_mem>>)
        %dma_wait3A_115 = tpu.memref_slice %arg4[%add3A_43, %mul3A_59] : memref<81920x128xf32, #tpu.memory_space<hbm>> -> memref<512x64xf32, #tpu.memory_space<hbm>>
        %dma_wait3A_116 = tpu.memref_slice %arg4[%add3A_43, %mul3A_59] : memref<81920x128xf32, #tpu.memory_space<hbm>> -> memref<512x64xf32, #tpu.memory_space<hbm>>
        tpu.wait_dma2 semaphore(%run_scoped3A : memref<!tpu.dma_semaphore, #tpu.memory_space<semaphore_mem>>) src(%arg7 : memref<512x64xf32, #tpu.memory_space<vmem>>) dst(%dma_wait3A_116 : memref<512x64xf32, #tpu.memory_space<hbm>>)
        tpu.yield
      }) : () -> ()
      %lt3A_60 = arith.constant 4 : i32
      %lt3A_61 = arith.cmpi slt, %scan3A_12, %lt3A_60 : i32
      %convert_element_type3A = arith.extui %lt3A_61 : i1 to i32
      %cond3A = arith.constant 0 : i32
      %cond3A_62 = arith.cmpi ne, %convert_element_type3A, %cond3A : i32
      scf.if %cond3A_62 {
        %add3A_113 = arith.constant 2 : i32
        %add3A_114 = arith.addi %mul3A_14, %add3A_113 : i32
        %mul3A_115 = arith.constant 16384 : i32
        %mul3A_116 = arith.muli %add3A_114, %mul3A_115 : i32
        %add3A_117 = arith.addi %mul3A_116, %mul3A_2 : i32
        "tpu.region"() ({
          %run_scoped3A = tpu.sem_alloc : memref<!tpu.dma_semaphore, #tpu.memory_space<semaphore_mem>>
          %dma_start3A_121 = tpu.memref_slice %arg3[%add3A_117] : memref<163840xi32, #tpu.memory_space<hbm>> -> memref<512xi32, #tpu.memory_space<hbm>>
          %dma_start3A_122 = tpu.memref_slice %arg3[%add3A_117] : memref<163840xi32, #tpu.memory_space<hbm>> -> memref<512xi32, #tpu.memory_space<hbm>>
          tpu.enqueue_dma source(%dma_start3A_122 : memref<512xi32, #tpu.memory_space<hbm>>) target(%arg5 : memref<512xi32, #tpu.memory_space<vmem>>) target_semaphore(%run_scoped3A : memref<!tpu.dma_semaphore, #tpu.memory_space<semaphore_mem>>)
          %dma_wait3A_123 = tpu.memref_slice %arg3[%add3A_117] : memref<163840xi32, #tpu.memory_space<hbm>> -> memref<512xi32, #tpu.memory_space<hbm>>
          %dma_wait3A_124 = tpu.memref_slice %arg3[%add3A_117] : memref<163840xi32, #tpu.memory_space<hbm>> -> memref<512xi32, #tpu.memory_space<hbm>>
          tpu.wait_dma2 semaphore(%run_scoped3A : memref<!tpu.dma_semaphore, #tpu.memory_space<semaphore_mem>>) src(%dma_wait3A_124 : memref<512xi32, #tpu.memory_space<hbm>>) dst(%arg5 : memref<512xi32, #tpu.memory_space<vmem>>)
          tpu.yield
        }) : () -> ()
        %dma_start3A_118 = arith.constant 0 : i32
        %dma_start3A_119 = arith.constant 0 : i32
        %dma_start3A_120 = tpu.memref_slice %arg2[%dma_start3A_118, %dma_start3A_119] : memref<100001x64xf32, #tpu.memory_space<hbm>> -> memref<100001x64xf32, #tpu.memory_space<hbm>>
        tpu.enqueue_indirect_dma source(%dma_start3A_120 : memref<100001x64xf32, #tpu.memory_space<hbm>>) target(%arg7 : memref<512x64xf32, #tpu.memory_space<vmem>>) offsets(%arg5 : memref<512xi32, #tpu.memory_space<vmem>>) semaphore(%arg9 : memref<!tpu.dma_semaphore, #tpu.memory_space<semaphore_mem>>)
      } else {
      }
      %add3A_63 = arith.constant 1 : i32
      %add3A_64 = arith.addi %mul3A_14, %add3A_63 : i32
      %dma_wait3A_65 = arith.constant 0 : i32
      %dma_wait3A_66 = arith.constant 0 : i32
      %dma_wait3A_67 = tpu.memref_slice %arg2[%dma_wait3A_65, %dma_wait3A_66] : memref<100001x64xf32, #tpu.memory_space<hbm>> -> memref<100001x64xf32, #tpu.memory_space<hbm>>
      tpu.wait_indirect_dma semaphore(%arg10 : memref<!tpu.dma_semaphore, #tpu.memory_space<semaphore_mem>>) src(%dma_wait3A_67 : memref<100001x64xf32, #tpu.memory_space<hbm>>) dst(%arg8 : memref<512x64xf32, #tpu.memory_space<vmem>>)
      %jit3A_68 = arith.constant 2 : i32
      %div3A_69 = arith.divsi %add3A_64, %jit3A_68 : i32
      %sign3A_70 = arith.constant 0 : i32
      %sign3A_71 = arith.cmpi sgt, %add3A_64, %sign3A_70 : i32
      %sign3A_72 = arith.extui %sign3A_71 : i1 to i32
      %sign3A_73 = arith.constant 0 : i32
      %sign3A_74 = arith.cmpi slt, %add3A_64, %sign3A_73 : i32
      %sign3A_75 = arith.extui %sign3A_74 : i1 to i32
      %sign3A_76 = arith.subi %sign3A_72, %sign3A_75 : i32
      %sign3A_77 = arith.constant 0 : i32
      %sign3A_78 = arith.cmpi sgt, %jit3A_68, %sign3A_77 : i32
      %sign3A_79 = arith.extui %sign3A_78 : i1 to i32
      %sign3A_80 = arith.constant 0 : i32
      %sign3A_81 = arith.cmpi slt, %jit3A_68, %sign3A_80 : i32
      %sign3A_82 = arith.extui %sign3A_81 : i1 to i32
      %sign3A_83 = arith.subi %sign3A_79, %sign3A_82 : i32
      %ne3A_84 = arith.cmpi ne, %sign3A_76, %sign3A_83 : i32
      %rem3A_85 = arith.remsi %add3A_64, %jit3A_68 : i32
      %ne3A_86 = arith.constant 0 : i32
      %ne3A_87 = arith.cmpi ne, %rem3A_85, %ne3A_86 : i32
      %and3A_88 = arith.andi %ne3A_84, %ne3A_87 : i1
      %sub3A_89 = arith.constant 1 : i32
      %sub3A_90 = arith.subi %div3A_69, %sub3A_89 : i32
      %select_n3A_91 = arith.select %and3A_88, %sub3A_90, %div3A_69 : i32
      %mul3A_92 = arith.constant 16384 : i32
      %mul3A_93 = arith.muli %select_n3A_91, %mul3A_92 : i32
      %add3A_94 = arith.addi %mul3A_93, %mul3A_2 : i32
      %jit3A_95 = arith.constant 2 : i32
      %eq3A_96 = arith.constant 0 : i32
      %eq3A_97 = arith.cmpi eq, %jit3A_95, %eq3A_96 : i32
      %jit3A_98 = arith.constant 1 : i32
      %select_n3A_99 = arith.select %eq3A_97, %jit3A_98, %jit3A_95 : i32
      %rem3A_100 = arith.remsi %add3A_64, %select_n3A_99 : i32
      %ne3A_101 = arith.constant 0 : i32
      %ne3A_102 = arith.cmpi ne, %rem3A_100, %ne3A_101 : i32
      %lt3A_103 = arith.constant 0 : i32
      %lt3A_104 = arith.cmpi slt, %rem3A_100, %lt3A_103 : i32
      %lt3A_105 = arith.constant 0 : i32
      %lt3A_106 = arith.cmpi slt, %select_n3A_99, %lt3A_105 : i32
      %ne3A_107 = arith.xori %lt3A_104, %lt3A_106 : i1
      %and3A_108 = arith.andi %ne3A_107, %ne3A_102 : i1
      %add3A_109 = arith.addi %rem3A_100, %select_n3A_99 : i32
      %select_n3A_110 = arith.select %and3A_108, %add3A_109, %rem3A_100 : i32
      %mul3A_111 = arith.constant 64 : i32
      %mul3A_112 = arith.muli %select_n3A_110, %mul3A_111 : i32
      "tpu.region"() ({
        %run_scoped3A = tpu.sem_alloc : memref<!tpu.dma_semaphore, #tpu.memory_space<semaphore_mem>>
        %dma_start3A_113 = tpu.memref_slice %arg4[%add3A_94, %mul3A_112] : memref<81920x128xf32, #tpu.memory_space<hbm>> -> memref<512x64xf32, #tpu.memory_space<hbm>>
        %dma_start3A_114 = tpu.memref_slice %arg4[%add3A_94, %mul3A_112] : memref<81920x128xf32, #tpu.memory_space<hbm>> -> memref<512x64xf32, #tpu.memory_space<hbm>>
        tpu.enqueue_dma source(%arg8 : memref<512x64xf32, #tpu.memory_space<vmem>>) target(%dma_start3A_114 : memref<512x64xf32, #tpu.memory_space<hbm>>) target_semaphore(%run_scoped3A : memref<!tpu.dma_semaphore, #tpu.memory_space<semaphore_mem>>)
        %dma_wait3A_115 = tpu.memref_slice %arg4[%add3A_94, %mul3A_112] : memref<81920x128xf32, #tpu.memory_space<hbm>> -> memref<512x64xf32, #tpu.memory_space<hbm>>
        %dma_wait3A_116 = tpu.memref_slice %arg4[%add3A_94, %mul3A_112] : memref<81920x128xf32, #tpu.memory_space<hbm>> -> memref<512x64xf32, #tpu.memory_space<hbm>>
        tpu.wait_dma2 semaphore(%run_scoped3A : memref<!tpu.dma_semaphore, #tpu.memory_space<semaphore_mem>>) src(%arg8 : memref<512x64xf32, #tpu.memory_space<vmem>>) dst(%dma_wait3A_116 : memref<512x64xf32, #tpu.memory_space<hbm>>)
        tpu.yield
      }) : () -> ()
    }
    %scan3A_11 = arith.constant 5 : i32
    return
  }
}

#map = affine_map<(d0, d1) -> (0, 0)>
#map1 = affine_map<(d0, d1) -> (0)>
module attributes {stable_mosaic.version = 14 : i64} {
  func.func @gather_k(%arg0: i32, %arg1: i32, %arg2: memref<100001x64xf32, #tpu.memory_space<hbm>>, %arg3: memref<16384xi32, #tpu.memory_space<hbm>>, %arg4: memref<327680xi32, #tpu.memory_space<hbm>>, %arg5: memref<1x128xf32, #tpu.memory_space<hbm>>, %arg6: memref<16384x64xf32, #tpu.memory_space<hbm>>, %arg7: memref<163840x128xf32, #tpu.memory_space<hbm>>, %arg8: memref<512xi32, #tpu.memory_space<vmem>>, %arg9: memref<512xi32, #tpu.memory_space<vmem>>, %arg10: memref<512x64xf32, #tpu.memory_space<vmem>>, %arg11: memref<512x64xf32, #tpu.memory_space<vmem>>, %arg12: memref<!tpu.dma_semaphore, #tpu.memory_space<semaphore_mem>>, %arg13: memref<!tpu.dma_semaphore, #tpu.memory_space<semaphore_mem>>) attributes {dimension_semantics = [#tpu.dimension_semantics<core_parallel>, #tpu.dimension_semantics<subcore_parallel>], iteration_bounds = array<i64: 2, 16>, scalar_prefetch = 0 : i64, scratch_operands = 6 : i64, tpu.core_type = #tpu.core_type<sc_vector_subcore>, window_params = [{transform_indices = #map}, {transform_indices = #map1}, {transform_indices = #map1}, {transform_indices = #map}, {transform_indices = #map}, {transform_indices = #map}]} {
    %mul3A = arith.constant 2 : i32
    %mul3A_0 = arith.muli %arg1, %mul3A : i32
    %add3A = arith.addi %mul3A_0, %arg0 : i32
    %mul3A_1 = arith.constant 512 : i32
    %mul3A_2 = arith.muli %add3A, %mul3A_1 : i32
    "tpu.region"() ({
      %run_scoped3A = tpu.sem_alloc : memref<!tpu.dma_semaphore, #tpu.memory_space<semaphore_mem>>
      %dma_start3A_17 = tpu.memref_slice %arg3[%mul3A_2] : memref<16384xi32, #tpu.memory_space<hbm>> -> memref<512xi32, #tpu.memory_space<hbm>>
      %dma_start3A_18 = tpu.memref_slice %arg3[%mul3A_2] : memref<16384xi32, #tpu.memory_space<hbm>> -> memref<512xi32, #tpu.memory_space<hbm>>
      tpu.enqueue_dma source(%dma_start3A_18 : memref<512xi32, #tpu.memory_space<hbm>>) target(%arg8 : memref<512xi32, #tpu.memory_space<vmem>>) target_semaphore(%run_scoped3A : memref<!tpu.dma_semaphore, #tpu.memory_space<semaphore_mem>>)
      %dma_wait3A_19 = tpu.memref_slice %arg3[%mul3A_2] : memref<16384xi32, #tpu.memory_space<hbm>> -> memref<512xi32, #tpu.memory_space<hbm>>
      %dma_wait3A_20 = tpu.memref_slice %arg3[%mul3A_2] : memref<16384xi32, #tpu.memory_space<hbm>> -> memref<512xi32, #tpu.memory_space<hbm>>
      tpu.wait_dma2 semaphore(%run_scoped3A : memref<!tpu.dma_semaphore, #tpu.memory_space<semaphore_mem>>) src(%dma_wait3A_20 : memref<512xi32, #tpu.memory_space<hbm>>) dst(%arg8 : memref<512xi32, #tpu.memory_space<vmem>>)
      tpu.yield
    }) : () -> ()
    %dma_start3A = arith.constant 0 : i32
    %dma_start3A_3 = arith.constant 0 : i32
    %dma_start3A_4 = tpu.memref_slice %arg2[%dma_start3A, %dma_start3A_3] : memref<100001x64xf32, #tpu.memory_space<hbm>> -> memref<100001x64xf32, #tpu.memory_space<hbm>>
    tpu.enqueue_indirect_dma source(%dma_start3A_4 : memref<100001x64xf32, #tpu.memory_space<hbm>>) target(%arg10 : memref<512x64xf32, #tpu.memory_space<vmem>>) offsets(%arg8 : memref<512xi32, #tpu.memory_space<vmem>>) semaphore(%arg12 : memref<!tpu.dma_semaphore, #tpu.memory_space<semaphore_mem>>)
    %dma_wait3A = arith.constant 0 : i32
    %dma_wait3A_5 = arith.constant 0 : i32
    %dma_wait3A_6 = tpu.memref_slice %arg2[%dma_wait3A, %dma_wait3A_5] : memref<100001x64xf32, #tpu.memory_space<hbm>> -> memref<100001x64xf32, #tpu.memory_space<hbm>>
    tpu.wait_indirect_dma semaphore(%arg12 : memref<!tpu.dma_semaphore, #tpu.memory_space<semaphore_mem>>) src(%dma_wait3A_6 : memref<100001x64xf32, #tpu.memory_space<hbm>>) dst(%arg10 : memref<512x64xf32, #tpu.memory_space<vmem>>)
    "tpu.region"() ({
      %run_scoped3A = tpu.sem_alloc : memref<!tpu.dma_semaphore, #tpu.memory_space<semaphore_mem>>
      %dma_start3A_17 = arith.constant 0 : i32
      %dma_start3A_18 = tpu.memref_slice %arg6[%mul3A_2, %dma_start3A_17] : memref<16384x64xf32, #tpu.memory_space<hbm>> -> memref<512x64xf32, #tpu.memory_space<hbm>>
      %dma_start3A_19 = arith.constant 0 : i32
      %dma_start3A_20 = tpu.memref_slice %arg6[%mul3A_2, %dma_start3A_19] : memref<16384x64xf32, #tpu.memory_space<hbm>> -> memref<512x64xf32, #tpu.memory_space<hbm>>
      tpu.enqueue_dma source(%arg10 : memref<512x64xf32, #tpu.memory_space<vmem>>) target(%dma_start3A_20 : memref<512x64xf32, #tpu.memory_space<hbm>>) target_semaphore(%run_scoped3A : memref<!tpu.dma_semaphore, #tpu.memory_space<semaphore_mem>>)
      %dma_wait3A_21 = arith.constant 0 : i32
      %dma_wait3A_22 = tpu.memref_slice %arg6[%mul3A_2, %dma_wait3A_21] : memref<16384x64xf32, #tpu.memory_space<hbm>> -> memref<512x64xf32, #tpu.memory_space<hbm>>
      %dma_wait3A_23 = arith.constant 0 : i32
      %dma_wait3A_24 = tpu.memref_slice %arg6[%mul3A_2, %dma_wait3A_23] : memref<16384x64xf32, #tpu.memory_space<hbm>> -> memref<512x64xf32, #tpu.memory_space<hbm>>
      tpu.wait_dma2 semaphore(%run_scoped3A : memref<!tpu.dma_semaphore, #tpu.memory_space<semaphore_mem>>) src(%arg10 : memref<512x64xf32, #tpu.memory_space<vmem>>) dst(%dma_wait3A_24 : memref<512x64xf32, #tpu.memory_space<hbm>>)
      tpu.yield
    }) : () -> ()
    %add3A_7 = arith.constant 0 : i32
    %add3A_8 = arith.addi %add3A_7, %mul3A_2 : i32
    "tpu.region"() ({
      %run_scoped3A = tpu.sem_alloc : memref<!tpu.dma_semaphore, #tpu.memory_space<semaphore_mem>>
      %dma_start3A_17 = tpu.memref_slice %arg4[%add3A_8] : memref<327680xi32, #tpu.memory_space<hbm>> -> memref<512xi32, #tpu.memory_space<hbm>>
      %dma_start3A_18 = tpu.memref_slice %arg4[%add3A_8] : memref<327680xi32, #tpu.memory_space<hbm>> -> memref<512xi32, #tpu.memory_space<hbm>>
      tpu.enqueue_dma source(%dma_start3A_18 : memref<512xi32, #tpu.memory_space<hbm>>) target(%arg8 : memref<512xi32, #tpu.memory_space<vmem>>) target_semaphore(%run_scoped3A : memref<!tpu.dma_semaphore, #tpu.memory_space<semaphore_mem>>)
      %dma_wait3A_19 = tpu.memref_slice %arg4[%add3A_8] : memref<327680xi32, #tpu.memory_space<hbm>> -> memref<512xi32, #tpu.memory_space<hbm>>
      %dma_wait3A_20 = tpu.memref_slice %arg4[%add3A_8] : memref<327680xi32, #tpu.memory_space<hbm>> -> memref<512xi32, #tpu.memory_space<hbm>>
      tpu.wait_dma2 semaphore(%run_scoped3A : memref<!tpu.dma_semaphore, #tpu.memory_space<semaphore_mem>>) src(%dma_wait3A_20 : memref<512xi32, #tpu.memory_space<hbm>>) dst(%arg8 : memref<512xi32, #tpu.memory_space<vmem>>)
      tpu.yield
    }) : () -> ()
    %dma_start3A_9 = arith.constant 0 : i32
    %dma_start3A_10 = arith.constant 0 : i32
    %dma_start3A_11 = tpu.memref_slice %arg2[%dma_start3A_9, %dma_start3A_10] : memref<100001x64xf32, #tpu.memory_space<hbm>> -> memref<100001x64xf32, #tpu.memory_space<hbm>>
    tpu.enqueue_indirect_dma source(%dma_start3A_11 : memref<100001x64xf32, #tpu.memory_space<hbm>>) target(%arg10 : memref<512x64xf32, #tpu.memory_space<vmem>>) offsets(%arg8 : memref<512xi32, #tpu.memory_space<vmem>>) semaphore(%arg12 : memref<!tpu.dma_semaphore, #tpu.memory_space<semaphore_mem>>)
    %scan3A = arith.constant 0 : i32
    %scan3A_12 = arith.constant 0 : i32
    %scan3A_13 = arith.constant 10 : i32
    %scan3A_14 = arith.addi %scan3A_12, %scan3A_13 : i32
    %scan3A_15 = arith.constant 1 : i32
    scf.for %scan3A_17 = %scan3A_12 to %scan3A_14 step %scan3A_15  : i32 {
      %mul3A_18 = arith.constant 2 : i32
      %mul3A_19 = arith.muli %scan3A_17, %mul3A_18 : i32
      %add3A_20 = arith.constant 1 : i32
      %add3A_21 = arith.addi %mul3A_19, %add3A_20 : i32
      %mul3A_22 = arith.constant 16384 : i32
      %mul3A_23 = arith.muli %add3A_21, %mul3A_22 : i32
      %add3A_24 = arith.addi %mul3A_23, %mul3A_2 : i32
      "tpu.region"() ({
        %run_scoped3A = tpu.sem_alloc : memref<!tpu.dma_semaphore, #tpu.memory_space<semaphore_mem>>
        %dma_start3A_119 = tpu.memref_slice %arg4[%add3A_24] : memref<327680xi32, #tpu.memory_space<hbm>> -> memref<512xi32, #tpu.memory_space<hbm>>
        %dma_start3A_120 = tpu.memref_slice %arg4[%add3A_24] : memref<327680xi32, #tpu.memory_space<hbm>> -> memref<512xi32, #tpu.memory_space<hbm>>
        tpu.enqueue_dma source(%dma_start3A_120 : memref<512xi32, #tpu.memory_space<hbm>>) target(%arg9 : memref<512xi32, #tpu.memory_space<vmem>>) target_semaphore(%run_scoped3A : memref<!tpu.dma_semaphore, #tpu.memory_space<semaphore_mem>>)
        %dma_wait3A_121 = tpu.memref_slice %arg4[%add3A_24] : memref<327680xi32, #tpu.memory_space<hbm>> -> memref<512xi32, #tpu.memory_space<hbm>>
        %dma_wait3A_122 = tpu.memref_slice %arg4[%add3A_24] : memref<327680xi32, #tpu.memory_space<hbm>> -> memref<512xi32, #tpu.memory_space<hbm>>
        tpu.wait_dma2 semaphore(%run_scoped3A : memref<!tpu.dma_semaphore, #tpu.memory_space<semaphore_mem>>) src(%dma_wait3A_122 : memref<512xi32, #tpu.memory_space<hbm>>) dst(%arg9 : memref<512xi32, #tpu.memory_space<vmem>>)
        tpu.yield
      }) : () -> ()
      %dma_start3A_25 = arith.constant 0 : i32
      %dma_start3A_26 = arith.constant 0 : i32
      %dma_start3A_27 = tpu.memref_slice %arg2[%dma_start3A_25, %dma_start3A_26] : memref<100001x64xf32, #tpu.memory_space<hbm>> -> memref<100001x64xf32, #tpu.memory_space<hbm>>
      tpu.enqueue_indirect_dma source(%dma_start3A_27 : memref<100001x64xf32, #tpu.memory_space<hbm>>) target(%arg11 : memref<512x64xf32, #tpu.memory_space<vmem>>) offsets(%arg9 : memref<512xi32, #tpu.memory_space<vmem>>) semaphore(%arg13 : memref<!tpu.dma_semaphore, #tpu.memory_space<semaphore_mem>>)
      %dma_wait3A_28 = arith.constant 0 : i32
      %dma_wait3A_29 = arith.constant 0 : i32
      %dma_wait3A_30 = tpu.memref_slice %arg2[%dma_wait3A_28, %dma_wait3A_29] : memref<100001x64xf32, #tpu.memory_space<hbm>> -> memref<100001x64xf32, #tpu.memory_space<hbm>>
      tpu.wait_indirect_dma semaphore(%arg12 : memref<!tpu.dma_semaphore, #tpu.memory_space<semaphore_mem>>) src(%dma_wait3A_30 : memref<100001x64xf32, #tpu.memory_space<hbm>>) dst(%arg10 : memref<512x64xf32, #tpu.memory_space<vmem>>)
      %jit3A = arith.constant 2 : i32
      %div3A = arith.divsi %mul3A_19, %jit3A : i32
      %sign3A = arith.constant 0 : i32
      %sign3A_31 = arith.cmpi sgt, %mul3A_19, %sign3A : i32
      %sign3A_32 = arith.extui %sign3A_31 : i1 to i32
      %sign3A_33 = arith.constant 0 : i32
      %sign3A_34 = arith.cmpi slt, %mul3A_19, %sign3A_33 : i32
      %sign3A_35 = arith.extui %sign3A_34 : i1 to i32
      %sign3A_36 = arith.subi %sign3A_32, %sign3A_35 : i32
      %sign3A_37 = arith.constant 0 : i32
      %sign3A_38 = arith.cmpi sgt, %jit3A, %sign3A_37 : i32
      %sign3A_39 = arith.extui %sign3A_38 : i1 to i32
      %sign3A_40 = arith.constant 0 : i32
      %sign3A_41 = arith.cmpi slt, %jit3A, %sign3A_40 : i32
      %sign3A_42 = arith.extui %sign3A_41 : i1 to i32
      %sign3A_43 = arith.subi %sign3A_39, %sign3A_42 : i32
      %ne3A = arith.cmpi ne, %sign3A_36, %sign3A_43 : i32
      %rem3A = arith.remsi %mul3A_19, %jit3A : i32
      %ne3A_44 = arith.constant 0 : i32
      %ne3A_45 = arith.cmpi ne, %rem3A, %ne3A_44 : i32
      %and3A = arith.andi %ne3A, %ne3A_45 : i1
      %sub3A = arith.constant 1 : i32
      %sub3A_46 = arith.subi %div3A, %sub3A : i32
      %select_n3A = arith.select %and3A, %sub3A_46, %div3A : i32
      %mul3A_47 = arith.constant 16384 : i32
      %mul3A_48 = arith.muli %select_n3A, %mul3A_47 : i32
      %add3A_49 = arith.addi %mul3A_48, %mul3A_2 : i32
      %jit3A_50 = arith.constant 2 : i32
      %eq3A = arith.constant 0 : i32
      %eq3A_51 = arith.cmpi eq, %jit3A_50, %eq3A : i32
      %jit3A_52 = arith.constant 1 : i32
      %select_n3A_53 = arith.select %eq3A_51, %jit3A_52, %jit3A_50 : i32
      %rem3A_54 = arith.remsi %mul3A_19, %select_n3A_53 : i32
      %ne3A_55 = arith.constant 0 : i32
      %ne3A_56 = arith.cmpi ne, %rem3A_54, %ne3A_55 : i32
      %lt3A = arith.constant 0 : i32
      %lt3A_57 = arith.cmpi slt, %rem3A_54, %lt3A : i32
      %lt3A_58 = arith.constant 0 : i32
      %lt3A_59 = arith.cmpi slt, %select_n3A_53, %lt3A_58 : i32
      %ne3A_60 = arith.xori %lt3A_57, %lt3A_59 : i1
      %and3A_61 = arith.andi %ne3A_60, %ne3A_56 : i1
      %add3A_62 = arith.addi %rem3A_54, %select_n3A_53 : i32
      %select_n3A_63 = arith.select %and3A_61, %add3A_62, %rem3A_54 : i32
      %mul3A_64 = arith.constant 64 : i32
      %mul3A_65 = arith.muli %select_n3A_63, %mul3A_64 : i32
      "tpu.region"() ({
        %run_scoped3A = tpu.sem_alloc : memref<!tpu.dma_semaphore, #tpu.memory_space<semaphore_mem>>
        %dma_start3A_119 = tpu.memref_slice %arg7[%add3A_49, %mul3A_65] : memref<163840x128xf32, #tpu.memory_space<hbm>> -> memref<512x64xf32, #tpu.memory_space<hbm>>
        %dma_start3A_120 = tpu.memref_slice %arg7[%add3A_49, %mul3A_65] : memref<163840x128xf32, #tpu.memory_space<hbm>> -> memref<512x64xf32, #tpu.memory_space<hbm>>
        tpu.enqueue_dma source(%arg10 : memref<512x64xf32, #tpu.memory_space<vmem>>) target(%dma_start3A_120 : memref<512x64xf32, #tpu.memory_space<hbm>>) target_semaphore(%run_scoped3A : memref<!tpu.dma_semaphore, #tpu.memory_space<semaphore_mem>>)
        %dma_wait3A_121 = tpu.memref_slice %arg7[%add3A_49, %mul3A_65] : memref<163840x128xf32, #tpu.memory_space<hbm>> -> memref<512x64xf32, #tpu.memory_space<hbm>>
        %dma_wait3A_122 = tpu.memref_slice %arg7[%add3A_49, %mul3A_65] : memref<163840x128xf32, #tpu.memory_space<hbm>> -> memref<512x64xf32, #tpu.memory_space<hbm>>
        tpu.wait_dma2 semaphore(%run_scoped3A : memref<!tpu.dma_semaphore, #tpu.memory_space<semaphore_mem>>) src(%arg10 : memref<512x64xf32, #tpu.memory_space<vmem>>) dst(%dma_wait3A_122 : memref<512x64xf32, #tpu.memory_space<hbm>>)
        tpu.yield
      }) : () -> ()
      %lt3A_66 = arith.constant 9 : i32
      %lt3A_67 = arith.cmpi slt, %scan3A_17, %lt3A_66 : i32
      %convert_element_type3A = arith.extui %lt3A_67 : i1 to i32
      %cond3A = arith.constant 0 : i32
      %cond3A_68 = arith.cmpi ne, %convert_element_type3A, %cond3A : i32
      scf.if %cond3A_68 {
        %add3A_119 = arith.constant 2 : i32
        %add3A_120 = arith.addi %mul3A_19, %add3A_119 : i32
        %mul3A_121 = arith.constant 16384 : i32
        %mul3A_122 = arith.muli %add3A_120, %mul3A_121 : i32
        %add3A_123 = arith.addi %mul3A_122, %mul3A_2 : i32
        "tpu.region"() ({
          %run_scoped3A = tpu.sem_alloc : memref<!tpu.dma_semaphore, #tpu.memory_space<semaphore_mem>>
          %dma_start3A_127 = tpu.memref_slice %arg4[%add3A_123] : memref<327680xi32, #tpu.memory_space<hbm>> -> memref<512xi32, #tpu.memory_space<hbm>>
          %dma_start3A_128 = tpu.memref_slice %arg4[%add3A_123] : memref<327680xi32, #tpu.memory_space<hbm>> -> memref<512xi32, #tpu.memory_space<hbm>>
          tpu.enqueue_dma source(%dma_start3A_128 : memref<512xi32, #tpu.memory_space<hbm>>) target(%arg8 : memref<512xi32, #tpu.memory_space<vmem>>) target_semaphore(%run_scoped3A : memref<!tpu.dma_semaphore, #tpu.memory_space<semaphore_mem>>)
          %dma_wait3A_129 = tpu.memref_slice %arg4[%add3A_123] : memref<327680xi32, #tpu.memory_space<hbm>> -> memref<512xi32, #tpu.memory_space<hbm>>
          %dma_wait3A_130 = tpu.memref_slice %arg4[%add3A_123] : memref<327680xi32, #tpu.memory_space<hbm>> -> memref<512xi32, #tpu.memory_space<hbm>>
          tpu.wait_dma2 semaphore(%run_scoped3A : memref<!tpu.dma_semaphore, #tpu.memory_space<semaphore_mem>>) src(%dma_wait3A_130 : memref<512xi32, #tpu.memory_space<hbm>>) dst(%arg8 : memref<512xi32, #tpu.memory_space<vmem>>)
          tpu.yield
        }) : () -> ()
        %dma_start3A_124 = arith.constant 0 : i32
        %dma_start3A_125 = arith.constant 0 : i32
        %dma_start3A_126 = tpu.memref_slice %arg2[%dma_start3A_124, %dma_start3A_125] : memref<100001x64xf32, #tpu.memory_space<hbm>> -> memref<100001x64xf32, #tpu.memory_space<hbm>>
        tpu.enqueue_indirect_dma source(%dma_start3A_126 : memref<100001x64xf32, #tpu.memory_space<hbm>>) target(%arg10 : memref<512x64xf32, #tpu.memory_space<vmem>>) offsets(%arg8 : memref<512xi32, #tpu.memory_space<vmem>>) semaphore(%arg12 : memref<!tpu.dma_semaphore, #tpu.memory_space<semaphore_mem>>)
      } else {
      }
      %add3A_69 = arith.constant 1 : i32
      %add3A_70 = arith.addi %mul3A_19, %add3A_69 : i32
      %dma_wait3A_71 = arith.constant 0 : i32
      %dma_wait3A_72 = arith.constant 0 : i32
      %dma_wait3A_73 = tpu.memref_slice %arg2[%dma_wait3A_71, %dma_wait3A_72] : memref<100001x64xf32, #tpu.memory_space<hbm>> -> memref<100001x64xf32, #tpu.memory_space<hbm>>
      tpu.wait_indirect_dma semaphore(%arg13 : memref<!tpu.dma_semaphore, #tpu.memory_space<semaphore_mem>>) src(%dma_wait3A_73 : memref<100001x64xf32, #tpu.memory_space<hbm>>) dst(%arg11 : memref<512x64xf32, #tpu.memory_space<vmem>>)
      %jit3A_74 = arith.constant 2 : i32
      %div3A_75 = arith.divsi %add3A_70, %jit3A_74 : i32
      %sign3A_76 = arith.constant 0 : i32
      %sign3A_77 = arith.cmpi sgt, %add3A_70, %sign3A_76 : i32
      %sign3A_78 = arith.extui %sign3A_77 : i1 to i32
      %sign3A_79 = arith.constant 0 : i32
      %sign3A_80 = arith.cmpi slt, %add3A_70, %sign3A_79 : i32
      %sign3A_81 = arith.extui %sign3A_80 : i1 to i32
      %sign3A_82 = arith.subi %sign3A_78, %sign3A_81 : i32
      %sign3A_83 = arith.constant 0 : i32
      %sign3A_84 = arith.cmpi sgt, %jit3A_74, %sign3A_83 : i32
      %sign3A_85 = arith.extui %sign3A_84 : i1 to i32
      %sign3A_86 = arith.constant 0 : i32
      %sign3A_87 = arith.cmpi slt, %jit3A_74, %sign3A_86 : i32
      %sign3A_88 = arith.extui %sign3A_87 : i1 to i32
      %sign3A_89 = arith.subi %sign3A_85, %sign3A_88 : i32
      %ne3A_90 = arith.cmpi ne, %sign3A_82, %sign3A_89 : i32
      %rem3A_91 = arith.remsi %add3A_70, %jit3A_74 : i32
      %ne3A_92 = arith.constant 0 : i32
      %ne3A_93 = arith.cmpi ne, %rem3A_91, %ne3A_92 : i32
      %and3A_94 = arith.andi %ne3A_90, %ne3A_93 : i1
      %sub3A_95 = arith.constant 1 : i32
      %sub3A_96 = arith.subi %div3A_75, %sub3A_95 : i32
      %select_n3A_97 = arith.select %and3A_94, %sub3A_96, %div3A_75 : i32
      %mul3A_98 = arith.constant 16384 : i32
      %mul3A_99 = arith.muli %select_n3A_97, %mul3A_98 : i32
      %add3A_100 = arith.addi %mul3A_99, %mul3A_2 : i32
      %jit3A_101 = arith.constant 2 : i32
      %eq3A_102 = arith.constant 0 : i32
      %eq3A_103 = arith.cmpi eq, %jit3A_101, %eq3A_102 : i32
      %jit3A_104 = arith.constant 1 : i32
      %select_n3A_105 = arith.select %eq3A_103, %jit3A_104, %jit3A_101 : i32
      %rem3A_106 = arith.remsi %add3A_70, %select_n3A_105 : i32
      %ne3A_107 = arith.constant 0 : i32
      %ne3A_108 = arith.cmpi ne, %rem3A_106, %ne3A_107 : i32
      %lt3A_109 = arith.constant 0 : i32
      %lt3A_110 = arith.cmpi slt, %rem3A_106, %lt3A_109 : i32
      %lt3A_111 = arith.constant 0 : i32
      %lt3A_112 = arith.cmpi slt, %select_n3A_105, %lt3A_111 : i32
      %ne3A_113 = arith.xori %lt3A_110, %lt3A_112 : i1
      %and3A_114 = arith.andi %ne3A_113, %ne3A_108 : i1
      %add3A_115 = arith.addi %rem3A_106, %select_n3A_105 : i32
      %select_n3A_116 = arith.select %and3A_114, %add3A_115, %rem3A_106 : i32
      %mul3A_117 = arith.constant 64 : i32
      %mul3A_118 = arith.muli %select_n3A_116, %mul3A_117 : i32
      "tpu.region"() ({
        %run_scoped3A = tpu.sem_alloc : memref<!tpu.dma_semaphore, #tpu.memory_space<semaphore_mem>>
        %dma_start3A_119 = tpu.memref_slice %arg7[%add3A_100, %mul3A_118] : memref<163840x128xf32, #tpu.memory_space<hbm>> -> memref<512x64xf32, #tpu.memory_space<hbm>>
        %dma_start3A_120 = tpu.memref_slice %arg7[%add3A_100, %mul3A_118] : memref<163840x128xf32, #tpu.memory_space<hbm>> -> memref<512x64xf32, #tpu.memory_space<hbm>>
        tpu.enqueue_dma source(%arg11 : memref<512x64xf32, #tpu.memory_space<vmem>>) target(%dma_start3A_120 : memref<512x64xf32, #tpu.memory_space<hbm>>) target_semaphore(%run_scoped3A : memref<!tpu.dma_semaphore, #tpu.memory_space<semaphore_mem>>)
        %dma_wait3A_121 = tpu.memref_slice %arg7[%add3A_100, %mul3A_118] : memref<163840x128xf32, #tpu.memory_space<hbm>> -> memref<512x64xf32, #tpu.memory_space<hbm>>
        %dma_wait3A_122 = tpu.memref_slice %arg7[%add3A_100, %mul3A_118] : memref<163840x128xf32, #tpu.memory_space<hbm>> -> memref<512x64xf32, #tpu.memory_space<hbm>>
        tpu.wait_dma2 semaphore(%run_scoped3A : memref<!tpu.dma_semaphore, #tpu.memory_space<semaphore_mem>>) src(%arg11 : memref<512x64xf32, #tpu.memory_space<vmem>>) dst(%dma_wait3A_122 : memref<512x64xf32, #tpu.memory_space<hbm>>)
        tpu.yield
      }) : () -> ()
    }
    %scan3A_16 = arith.constant 10 : i32
    return
  }
}

module attributes {stable_mosaic.version = 14 : i64} {
  func.func @_attn_body(%arg0: i32, %arg1: memref<5x2048x128xf32, #tpu.memory_space<vmem>>, %arg2: memref<640x50xf32, #tpu.memory_space<vmem>>, %arg3: memref<1x50xf32, #tpu.memory_space<vmem>>, %arg4: memref<50x10xf32, #tpu.memory_space<vmem>>, %arg5: memref<1x10xf32, #tpu.memory_space<vmem>>, %arg6: memref<128x640xf32, #tpu.memory_space<vmem>>, %arg7: memref<2048x128xf32, #tpu.memory_space<vmem>>) attributes {dimension_semantics = [#tpu.dimension_semantics<arbitrary>], iteration_bounds = array<i64: 8>, scalar_prefetch = 0 : i64, scratch_operands = 0 : i64, tpu.core_type = #tpu.core_type<tc>, window_params = [{transform_indices = @transform_0, window_bounds = array<i64: 5, 2048, 128>}, {pipeline_mode = #tpu.pipeline_mode<synchronous>, transform_indices = @transform_1, window_bounds = array<i64: 640, 50>}, {pipeline_mode = #tpu.pipeline_mode<synchronous>, transform_indices = @transform_2, window_bounds = array<i64: 1, 50>}, {pipeline_mode = #tpu.pipeline_mode<synchronous>, transform_indices = @transform_3, window_bounds = array<i64: 50, 10>}, {pipeline_mode = #tpu.pipeline_mode<synchronous>, transform_indices = @transform_4, window_bounds = array<i64: 1, 10>}, {pipeline_mode = #tpu.pipeline_mode<synchronous>, transform_indices = @transform_5, window_bounds = array<i64: 128, 640>}, {transform_indices = @transform_6, window_bounds = array<i64: 2048, 128>}]} {
    %get3A = arith.constant 0 : index
    %get3A_0 = arith.constant 0 : index
    %get3A_1 = arith.constant 0 : index
    %get3A_2 = vector.load %arg1[%get3A, %get3A_0, %get3A_1] : memref<5x2048x128xf32, #tpu.memory_space<vmem>>, vector<1x2048x128xf32>
    %get3A_3 = vector.shape_cast %get3A_2 : vector<1x2048x128xf32> to vector<2048x128xf32>
    %get3A_4 = arith.constant 0 : index
    %get3A_5 = arith.constant 0 : index
    %get3A_6 = vector.load %arg2[%get3A_4, %get3A_5] : memref<640x50xf32, #tpu.memory_space<vmem>>, vector<128x50xf32>
    %dot_general3A = arith.constant dense<0.000000e+00> : vector<2048x50xf32>
    %dot_general3A_7 = tpu.matmul %get3A_3, %get3A_6, %dot_general3A {dimension_numbers = #tpu.dot_dimension_numbers<[1], [0], [0], [1], [0, 0, 1, 1], [], []>, transpose_lhs_hint = false} : vector<2048x128xf32>, vector<128x50xf32>, vector<2048x50xf32> -> vector<2048x50xf32>
    %get3A_8 = arith.constant 1 : index
    %get3A_9 = arith.constant 0 : index
    %get3A_10 = arith.constant 0 : index
    %get3A_11 = vector.load %arg1[%get3A_8, %get3A_9, %get3A_10] : memref<5x2048x128xf32, #tpu.memory_space<vmem>>, vector<1x2048x128xf32>
    %get3A_12 = vector.shape_cast %get3A_11 : vector<1x2048x128xf32> to vector<2048x128xf32>
    %get3A_13 = arith.constant 128 : index
    %get3A_14 = arith.constant 0 : index
    %get3A_15 = vector.load %arg2[%get3A_13, %get3A_14] : memref<640x50xf32, #tpu.memory_space<vmem>>, vector<128x50xf32>
    %dot_general3A_16 = arith.constant dense<0.000000e+00> : vector<2048x50xf32>
    %dot_general3A_17 = tpu.matmul %get3A_12, %get3A_15, %dot_general3A_16 {dimension_numbers = #tpu.dot_dimension_numbers<[1], [0], [0], [1], [0, 0, 1, 1], [], []>, transpose_lhs_hint = false} : vector<2048x128xf32>, vector<128x50xf32>, vector<2048x50xf32> -> vector<2048x50xf32>
    %add3A = arith.addf %dot_general3A_7, %dot_general3A_17 : vector<2048x50xf32>
    %get3A_18 = arith.constant 2 : index
    %get3A_19 = arith.constant 0 : index
    %get3A_20 = arith.constant 0 : index
    %get3A_21 = vector.load %arg1[%get3A_18, %get3A_19, %get3A_20] : memref<5x2048x128xf32, #tpu.memory_space<vmem>>, vector<1x2048x128xf32>
    %get3A_22 = vector.shape_cast %get3A_21 : vector<1x2048x128xf32> to vector<2048x128xf32>
    %get3A_23 = arith.constant 256 : index
    %get3A_24 = arith.constant 0 : index
    %get3A_25 = vector.load %arg2[%get3A_23, %get3A_24] : memref<640x50xf32, #tpu.memory_space<vmem>>, vector<128x50xf32>
    %dot_general3A_26 = arith.constant dense<0.000000e+00> : vector<2048x50xf32>
    %dot_general3A_27 = tpu.matmul %get3A_22, %get3A_25, %dot_general3A_26 {dimension_numbers = #tpu.dot_dimension_numbers<[1], [0], [0], [1], [0, 0, 1, 1], [], []>, transpose_lhs_hint = false} : vector<2048x128xf32>, vector<128x50xf32>, vector<2048x50xf32> -> vector<2048x50xf32>
    %add3A_28 = arith.addf %add3A, %dot_general3A_27 : vector<2048x50xf32>
    %get3A_29 = arith.constant 3 : index
    %get3A_30 = arith.constant 0 : index
    %get3A_31 = arith.constant 0 : index
    %get3A_32 = vector.load %arg1[%get3A_29, %get3A_30, %get3A_31] : memref<5x2048x128xf32, #tpu.memory_space<vmem>>, vector<1x2048x128xf32>
    %get3A_33 = vector.shape_cast %get3A_32 : vector<1x2048x128xf32> to vector<2048x128xf32>
    %get3A_34 = arith.constant 384 : index
    %get3A_35 = arith.constant 0 : index
    %get3A_36 = vector.load %arg2[%get3A_34, %get3A_35] : memref<640x50xf32, #tpu.memory_space<vmem>>, vector<128x50xf32>
    %dot_general3A_37 = arith.constant dense<0.000000e+00> : vector<2048x50xf32>
    %dot_general3A_38 = tpu.matmul %get3A_33, %get3A_36, %dot_general3A_37 {dimension_numbers = #tpu.dot_dimension_numbers<[1], [0], [0], [1], [0, 0, 1, 1], [], []>, transpose_lhs_hint = false} : vector<2048x128xf32>, vector<128x50xf32>, vector<2048x50xf32> -> vector<2048x50xf32>
    %add3A_39 = arith.addf %add3A_28, %dot_general3A_38 : vector<2048x50xf32>
    %get3A_40 = arith.constant 4 : index
    %get3A_41 = arith.constant 0 : index
    %get3A_42 = arith.constant 0 : index
    %get3A_43 = vector.load %arg1[%get3A_40, %get3A_41, %get3A_42] : memref<5x2048x128xf32, #tpu.memory_space<vmem>>, vector<1x2048x128xf32>
    %get3A_44 = vector.shape_cast %get3A_43 : vector<1x2048x128xf32> to vector<2048x128xf32>
    %get3A_45 = arith.constant 512 : index
    %get3A_46 = arith.constant 0 : index
    %get3A_47 = vector.load %arg2[%get3A_45, %get3A_46] : memref<640x50xf32, #tpu.memory_space<vmem>>, vector<128x50xf32>
    %dot_general3A_48 = arith.constant dense<0.000000e+00> : vector<2048x50xf32>
    %dot_general3A_49 = tpu.matmul %get3A_44, %get3A_47, %dot_general3A_48 {dimension_numbers = #tpu.dot_dimension_numbers<[1], [0], [0], [1], [0, 0, 1, 1], [], []>, transpose_lhs_hint = false} : vector<2048x128xf32>, vector<128x50xf32>, vector<2048x50xf32> -> vector<2048x50xf32>
    %add3A_50 = arith.addf %add3A_39, %dot_general3A_49 : vector<2048x50xf32>
    %get3A_51 = arith.constant 0 : index
    %get3A_52 = arith.constant 0 : index
    %get3A_53 = vector.load %arg3[%get3A_51, %get3A_52] : memref<1x50xf32, #tpu.memory_space<vmem>>, vector<1x50xf32>
    %add3A_54 = vector.broadcast %get3A_53 : vector<1x50xf32> to vector<2048x50xf32>
    %add3A_55 = arith.addf %add3A_50, %add3A_54 : vector<2048x50xf32>
    %tanh3A = math.tanh %add3A_55 : vector<2048x50xf32>
    %get3A_56 = arith.constant 0 : index
    %get3A_57 = arith.constant 0 : index
    %get3A_58 = vector.load %arg4[%get3A_56, %get3A_57] : memref<50x10xf32, #tpu.memory_space<vmem>>, vector<50x10xf32>
    %dot_general3A_59 = arith.constant dense<0.000000e+00> : vector<2048x10xf32>
    %dot_general3A_60 = tpu.matmul %tanh3A, %get3A_58, %dot_general3A_59 {dimension_numbers = #tpu.dot_dimension_numbers<[1], [0], [0], [1], [0, 0, 1, 1], [], []>, transpose_lhs_hint = false} : vector<2048x50xf32>, vector<50x10xf32>, vector<2048x10xf32> -> vector<2048x10xf32>
    %get3A_61 = arith.constant 0 : index
    %get3A_62 = arith.constant 0 : index
    %get3A_63 = vector.load %arg5[%get3A_61, %get3A_62] : memref<1x10xf32, #tpu.memory_space<vmem>>, vector<1x10xf32>
    %add3A_64 = vector.broadcast %get3A_63 : vector<1x10xf32> to vector<2048x10xf32>
    %add3A_65 = arith.addf %dot_general3A_60, %add3A_64 : vector<2048x10xf32>
    %reduce_max3A = arith.constant dense<0xFF800000> : vector<2048xf32>
    %reduce_max3A_66 = vector.multi_reduction <maximumf>, %add3A_65, %reduce_max3A [1] : vector<2048x10xf32> to vector<2048xf32>
    %max3A = arith.constant 0xFF800000 : f32
    %max3A_67 = vector.broadcast %max3A : f32 to vector<2048xf32>
    %max3A_68 = arith.maximumf %max3A_67, %reduce_max3A_66 : vector<2048xf32>
    %broadcast_in_dim3A = vector.shape_cast %max3A_68 : vector<2048xf32> to vector<2048x1xf32>
    %sub3A = vector.broadcast %broadcast_in_dim3A : vector<2048x1xf32> to vector<2048x10xf32>
    %sub3A_69 = arith.subf %add3A_65, %sub3A : vector<2048x10xf32>
    %exp3A = math.exp %sub3A_69 : vector<2048x10xf32>
    %reduce_sum3A = arith.constant dense<0.000000e+00> : vector<2048xf32>
    %reduce_sum3A_70 = vector.multi_reduction <add>, %exp3A, %reduce_sum3A [1] : vector<2048x10xf32> to vector<2048xf32>
    %broadcast_in_dim3A_71 = vector.shape_cast %reduce_sum3A_70 : vector<2048xf32> to vector<2048x1xf32>
    %div3A = vector.broadcast %broadcast_in_dim3A_71 : vector<2048x1xf32> to vector<2048x10xf32>
    %div3A_72 = arith.divf %exp3A, %div3A : vector<2048x10xf32>
    %broadcast_in_dim3A_73 = arith.constant 0.000000e+00 : f32
    %broadcast_in_dim3A_74 = vector.broadcast %broadcast_in_dim3A_73 : f32 to vector<2048x118xf32>
    %concatenate3A = tpu.concatenate %div3A_72, %broadcast_in_dim3A_74 in 1 : vector<2048x10xf32>, vector<2048x118xf32> -> vector<2048x128xf32>
    %broadcast_in_dim3A_75 = arith.constant 0.000000e+00 : f32
    %broadcast_in_dim3A_76 = vector.broadcast %broadcast_in_dim3A_75 : f32 to vector<2048x128xf32>
    %get3A_77 = arith.constant 0 : index
    %get3A_78 = arith.constant 0 : index
    %get3A_79 = vector.load %arg6[%get3A_77, %get3A_78] : memref<128x640xf32, #tpu.memory_space<vmem>>, vector<128x128xf32>
    %dot_general3A_80 = arith.constant dense<0.000000e+00> : vector<2048x128xf32>
    %dot_general3A_81 = tpu.matmul %concatenate3A, %get3A_79, %dot_general3A_80 {dimension_numbers = #tpu.dot_dimension_numbers<[1], [0], [0], [1], [0, 0, 1, 1], [], []>, transpose_lhs_hint = false} : vector<2048x128xf32>, vector<128x128xf32>, vector<2048x128xf32> -> vector<2048x128xf32>
    %get3A_82 = arith.constant 0 : index
    %get3A_83 = arith.constant 0 : index
    %get3A_84 = arith.constant 0 : index
    %get3A_85 = vector.load %arg1[%get3A_82, %get3A_83, %get3A_84] : memref<5x2048x128xf32, #tpu.memory_space<vmem>>, vector<1x2048x128xf32>
    %get3A_86 = vector.shape_cast %get3A_85 : vector<1x2048x128xf32> to vector<2048x128xf32>
    %mul3A = arith.mulf %dot_general3A_81, %get3A_86 : vector<2048x128xf32>
    %add3A_87 = arith.addf %broadcast_in_dim3A_76, %mul3A : vector<2048x128xf32>
    %get3A_88 = arith.constant 0 : index
    %get3A_89 = arith.constant 128 : index
    %get3A_90 = vector.load %arg6[%get3A_88, %get3A_89] : memref<128x640xf32, #tpu.memory_space<vmem>>, vector<128x128xf32>
    %dot_general3A_91 = arith.constant dense<0.000000e+00> : vector<2048x128xf32>
    %dot_general3A_92 = tpu.matmul %concatenate3A, %get3A_90, %dot_general3A_91 {dimension_numbers = #tpu.dot_dimension_numbers<[1], [0], [0], [1], [0, 0, 1, 1], [], []>, transpose_lhs_hint = false} : vector<2048x128xf32>, vector<128x128xf32>, vector<2048x128xf32> -> vector<2048x128xf32>
    %get3A_93 = arith.constant 1 : index
    %get3A_94 = arith.constant 0 : index
    %get3A_95 = arith.constant 0 : index
    %get3A_96 = vector.load %arg1[%get3A_93, %get3A_94, %get3A_95] : memref<5x2048x128xf32, #tpu.memory_space<vmem>>, vector<1x2048x128xf32>
    %get3A_97 = vector.shape_cast %get3A_96 : vector<1x2048x128xf32> to vector<2048x128xf32>
    %mul3A_98 = arith.mulf %dot_general3A_92, %get3A_97 : vector<2048x128xf32>
    %add3A_99 = arith.addf %add3A_87, %mul3A_98 : vector<2048x128xf32>
    %get3A_100 = arith.constant 0 : index
    %get3A_101 = arith.constant 256 : index
    %get3A_102 = vector.load %arg6[%get3A_100, %get3A_101] : memref<128x640xf32, #tpu.memory_space<vmem>>, vector<128x128xf32>
    %dot_general3A_103 = arith.constant dense<0.000000e+00> : vector<2048x128xf32>
    %dot_general3A_104 = tpu.matmul %concatenate3A, %get3A_102, %dot_general3A_103 {dimension_numbers = #tpu.dot_dimension_numbers<[1], [0], [0], [1], [0, 0, 1, 1], [], []>, transpose_lhs_hint = false} : vector<2048x128xf32>, vector<128x128xf32>, vector<2048x128xf32> -> vector<2048x128xf32>
    %get3A_105 = arith.constant 2 : index
    %get3A_106 = arith.constant 0 : index
    %get3A_107 = arith.constant 0 : index
    %get3A_108 = vector.load %arg1[%get3A_105, %get3A_106, %get3A_107] : memref<5x2048x128xf32, #tpu.memory_space<vmem>>, vector<1x2048x128xf32>
    %get3A_109 = vector.shape_cast %get3A_108 : vector<1x2048x128xf32> to vector<2048x128xf32>
    %mul3A_110 = arith.mulf %dot_general3A_104, %get3A_109 : vector<2048x128xf32>
    %add3A_111 = arith.addf %add3A_99, %mul3A_110 : vector<2048x128xf32>
    %get3A_112 = arith.constant 0 : index
    %get3A_113 = arith.constant 384 : index
    %get3A_114 = vector.load %arg6[%get3A_112, %get3A_113] : memref<128x640xf32, #tpu.memory_space<vmem>>, vector<128x128xf32>
    %dot_general3A_115 = arith.constant dense<0.000000e+00> : vector<2048x128xf32>
    %dot_general3A_116 = tpu.matmul %concatenate3A, %get3A_114, %dot_general3A_115 {dimension_numbers = #tpu.dot_dimension_numbers<[1], [0], [0], [1], [0, 0, 1, 1], [], []>, transpose_lhs_hint = false} : vector<2048x128xf32>, vector<128x128xf32>, vector<2048x128xf32> -> vector<2048x128xf32>
    %get3A_117 = arith.constant 3 : index
    %get3A_118 = arith.constant 0 : index
    %get3A_119 = arith.constant 0 : index
    %get3A_120 = vector.load %arg1[%get3A_117, %get3A_118, %get3A_119] : memref<5x2048x128xf32, #tpu.memory_space<vmem>>, vector<1x2048x128xf32>
    %get3A_121 = vector.shape_cast %get3A_120 : vector<1x2048x128xf32> to vector<2048x128xf32>
    %mul3A_122 = arith.mulf %dot_general3A_116, %get3A_121 : vector<2048x128xf32>
    %add3A_123 = arith.addf %add3A_111, %mul3A_122 : vector<2048x128xf32>
    %get3A_124 = arith.constant 0 : index
    %get3A_125 = arith.constant 512 : index
    %get3A_126 = vector.load %arg6[%get3A_124, %get3A_125] : memref<128x640xf32, #tpu.memory_space<vmem>>, vector<128x128xf32>
    %dot_general3A_127 = arith.constant dense<0.000000e+00> : vector<2048x128xf32>
    %dot_general3A_128 = tpu.matmul %concatenate3A, %get3A_126, %dot_general3A_127 {dimension_numbers = #tpu.dot_dimension_numbers<[1], [0], [0], [1], [0, 0, 1, 1], [], []>, transpose_lhs_hint = false} : vector<2048x128xf32>, vector<128x128xf32>, vector<2048x128xf32> -> vector<2048x128xf32>
    %get3A_129 = arith.constant 4 : index
    %get3A_130 = arith.constant 0 : index
    %get3A_131 = arith.constant 0 : index
    %get3A_132 = vector.load %arg1[%get3A_129, %get3A_130, %get3A_131] : memref<5x2048x128xf32, #tpu.memory_space<vmem>>, vector<1x2048x128xf32>
    %get3A_133 = vector.shape_cast %get3A_132 : vector<1x2048x128xf32> to vector<2048x128xf32>
    %mul3A_134 = arith.mulf %dot_general3A_128, %get3A_133 : vector<2048x128xf32>
    %add3A_135 = arith.addf %add3A_123, %mul3A_134 : vector<2048x128xf32>
    %slice3A = vector.extract_strided_slice %add3A_135 {offsets = [0, 0], sizes = [2048, 64], strides = [1, 1]} : vector<2048x128xf32> to vector<2048x64xf32>
    %slice3A_136 = vector.extract_strided_slice %add3A_135 {offsets = [0, 64], sizes = [2048, 64], strides = [1, 1]} : vector<2048x128xf32> to vector<2048x64xf32>
    %add3A_137 = arith.addf %slice3A, %slice3A_136 : vector<2048x64xf32>
    %concatenate3A_138 = tpu.concatenate %add3A_137, %add3A_137 in 1 : vector<2048x64xf32>, vector<2048x64xf32> -> vector<2048x128xf32>
    %swap3A = arith.constant 0 : index
    %swap3A_139 = arith.constant 0 : index
    %swap3A_140 = vector.load %arg7[%swap3A, %swap3A_139] : memref<2048x128xf32, #tpu.memory_space<vmem>>, vector<2048x128xf32>
    tpu.vector_store %arg7[%swap3A, %swap3A_139], %concatenate3A_138 {strides = array<i32>} : memref<2048x128xf32, #tpu.memory_space<vmem>>, vector<2048x128xf32>,
    return
  }
  func.func @transform_0(%arg0: i32) -> (i32, i32, i32) {
    %c0_i32 = arith.constant 0 : i32
    %c0_i32_0 = arith.constant 0 : i32
    %c0_i32_1 = arith.constant 0 : i32
    return %c0_i32, %arg0, %c0_i32_0 : i32, i32, i32
  }
  func.func @transform_1(%arg0: i32) -> (i32, i32) {
    %c0_i32 = arith.constant 0 : i32
    %c0_i32_0 = arith.constant 0 : i32
    %c0_i32_1 = arith.constant 0 : i32
    return %c0_i32, %c0_i32_0 : i32, i32
  }
  func.func @transform_2(%arg0: i32) -> (i32, i32) {
    %c0_i32 = arith.constant 0 : i32
    %c0_i32_0 = arith.constant 0 : i32
    %c0_i32_1 = arith.constant 0 : i32
    return %c0_i32, %c0_i32_0 : i32, i32
  }
  func.func @transform_3(%arg0: i32) -> (i32, i32) {
    %c0_i32 = arith.constant 0 : i32
    %c0_i32_0 = arith.constant 0 : i32
    %c0_i32_1 = arith.constant 0 : i32
    return %c0_i32, %c0_i32_0 : i32, i32
  }
  func.func @transform_4(%arg0: i32) -> (i32, i32) {
    %c0_i32 = arith.constant 0 : i32
    %c0_i32_0 = arith.constant 0 : i32
    %c0_i32_1 = arith.constant 0 : i32
    return %c0_i32, %c0_i32_0 : i32, i32
  }
  func.func @transform_5(%arg0: i32) -> (i32, i32) {
    %c0_i32 = arith.constant 0 : i32
    %c0_i32_0 = arith.constant 0 : i32
    %c0_i32_1 = arith.constant 0 : i32
    return %c0_i32, %c0_i32_0 : i32, i32
  }
  func.func @transform_6(%arg0: i32) -> (i32, i32) {
    %c0_i32 = arith.constant 0 : i32
    %c0_i32_0 = arith.constant 0 : i32
    return %arg0, %c0_i32 : i32, i32
  }
}

module attributes {stable_mosaic.version = 14 : i64} {
  func.func @_loss_body(%arg0: i32, %arg1: memref<2048x64xf32, #tpu.memory_space<vmem>>, %arg2: memref<10x2048x128xf32, #tpu.memory_space<vmem>>, %arg3: memref<2048x128xf32, #tpu.memory_space<vmem>>, %arg4: memref<128x128xf32, #tpu.memory_space<vmem>>, %arg5: memref<1x1xf32, #tpu.memory_space<smem>>) attributes {dimension_semantics = [#tpu.dimension_semantics<arbitrary>], iteration_bounds = array<i64: 8>, scalar_prefetch = 0 : i64, scratch_operands = 0 : i64, tpu.core_type = #tpu.core_type<tc>, window_params = [{transform_indices = @transform_0, window_bounds = array<i64: 2048, 64>}, {transform_indices = @transform_1, window_bounds = array<i64: 10, 2048, 128>}, {transform_indices = @transform_2, window_bounds = array<i64: 2048, 128>}, {pipeline_mode = #tpu.pipeline_mode<synchronous>, transform_indices = @transform_3, window_bounds = array<i64: 128, 128>}, {transform_indices = @transform_4, window_bounds = array<i64: 1, 1>}]} {
    %get3A = arith.constant 0 : index
    %get3A_0 = arith.constant 0 : index
    %get3A_1 = vector.load %arg3[%get3A, %get3A_0] : memref<2048x128xf32, #tpu.memory_space<vmem>>, vector<2048x128xf32>
    %get3A_2 = arith.constant 0 : index
    %get3A_3 = arith.constant 0 : index
    %get3A_4 = vector.load %arg4[%get3A_2, %get3A_3] : memref<128x128xf32, #tpu.memory_space<vmem>>, vector<128x128xf32>
    %get3A_5 = arith.constant 0 : index
    %get3A_6 = arith.constant 0 : index
    %get3A_7 = vector.load %arg1[%get3A_5, %get3A_6] : memref<2048x64xf32, #tpu.memory_space<vmem>>, vector<2048x64xf32>
    %slice3A = vector.extract_strided_slice %get3A_1 {offsets = [0, 0], sizes = [2048, 64], strides = [1, 1]} : vector<2048x128xf32> to vector<2048x64xf32>
    %mul3A = arith.mulf %get3A_7, %slice3A : vector<2048x64xf32>
    %reduce_sum3A = arith.constant dense<0.000000e+00> : vector<2048xf32>
    %reduce_sum3A_8 = vector.multi_reduction <add>, %mul3A, %reduce_sum3A [1] : vector<2048x64xf32> to vector<2048xf32>
    %broadcast_in_dim3A = vector.shape_cast %reduce_sum3A_8 : vector<2048xf32> to vector<2048x1xf32>
    %get3A_9 = arith.constant 0 : index
    %get3A_10 = arith.constant 0 : index
    %get3A_11 = arith.constant 0 : index
    %get3A_12 = vector.load %arg2[%get3A_9, %get3A_10, %get3A_11] : memref<10x2048x128xf32, #tpu.memory_space<vmem>>, vector<1x2048x128xf32>
    %get3A_13 = vector.shape_cast %get3A_12 : vector<1x2048x128xf32> to vector<2048x128xf32>
    %mul3A_14 = arith.mulf %get3A_13, %get3A_1 : vector<2048x128xf32>
    %dot_general3A = arith.constant dense<0.000000e+00> : vector<2048x128xf32>
    %dot_general3A_15 = tpu.matmul %mul3A_14, %get3A_4, %dot_general3A {dimension_numbers = #tpu.dot_dimension_numbers<[1], [0], [0], [1], [0, 0, 1, 1], [], []>, transpose_lhs_hint = false} : vector<2048x128xf32>, vector<128x128xf32>, vector<2048x128xf32> -> vector<2048x128xf32>
    %slice3A_16 = vector.extract_strided_slice %dot_general3A_15 {offsets = [0, 0], sizes = [2048, 2], strides = [1, 1]} : vector<2048x128xf32> to vector<2048x2xf32>
    %get3A_17 = arith.constant 1 : index
    %get3A_18 = arith.constant 0 : index
    %get3A_19 = arith.constant 0 : index
    %get3A_20 = vector.load %arg2[%get3A_17, %get3A_18, %get3A_19] : memref<10x2048x128xf32, #tpu.memory_space<vmem>>, vector<1x2048x128xf32>
    %get3A_21 = vector.shape_cast %get3A_20 : vector<1x2048x128xf32> to vector<2048x128xf32>
    %mul3A_22 = arith.mulf %get3A_21, %get3A_1 : vector<2048x128xf32>
    %dot_general3A_23 = arith.constant dense<0.000000e+00> : vector<2048x128xf32>
    %dot_general3A_24 = tpu.matmul %mul3A_22, %get3A_4, %dot_general3A_23 {dimension_numbers = #tpu.dot_dimension_numbers<[1], [0], [0], [1], [0, 0, 1, 1], [], []>, transpose_lhs_hint = false} : vector<2048x128xf32>, vector<128x128xf32>, vector<2048x128xf32> -> vector<2048x128xf32>
    %slice3A_25 = vector.extract_strided_slice %dot_general3A_24 {offsets = [0, 0], sizes = [2048, 2], strides = [1, 1]} : vector<2048x128xf32> to vector<2048x2xf32>
    %get3A_26 = arith.constant 2 : index
    %get3A_27 = arith.constant 0 : index
    %get3A_28 = arith.constant 0 : index
    %get3A_29 = vector.load %arg2[%get3A_26, %get3A_27, %get3A_28] : memref<10x2048x128xf32, #tpu.memory_space<vmem>>, vector<1x2048x128xf32>
    %get3A_30 = vector.shape_cast %get3A_29 : vector<1x2048x128xf32> to vector<2048x128xf32>
    %mul3A_31 = arith.mulf %get3A_30, %get3A_1 : vector<2048x128xf32>
    %dot_general3A_32 = arith.constant dense<0.000000e+00> : vector<2048x128xf32>
    %dot_general3A_33 = tpu.matmul %mul3A_31, %get3A_4, %dot_general3A_32 {dimension_numbers = #tpu.dot_dimension_numbers<[1], [0], [0], [1], [0, 0, 1, 1], [], []>, transpose_lhs_hint = false} : vector<2048x128xf32>, vector<128x128xf32>, vector<2048x128xf32> -> vector<2048x128xf32>
    %slice3A_34 = vector.extract_strided_slice %dot_general3A_33 {offsets = [0, 0], sizes = [2048, 2], strides = [1, 1]} : vector<2048x128xf32> to vector<2048x2xf32>
    %get3A_35 = arith.constant 3 : index
    %get3A_36 = arith.constant 0 : index
    %get3A_37 = arith.constant 0 : index
    %get3A_38 = vector.load %arg2[%get3A_35, %get3A_36, %get3A_37] : memref<10x2048x128xf32, #tpu.memory_space<vmem>>, vector<1x2048x128xf32>
    %get3A_39 = vector.shape_cast %get3A_38 : vector<1x2048x128xf32> to vector<2048x128xf32>
    %mul3A_40 = arith.mulf %get3A_39, %get3A_1 : vector<2048x128xf32>
    %dot_general3A_41 = arith.constant dense<0.000000e+00> : vector<2048x128xf32>
    %dot_general3A_42 = tpu.matmul %mul3A_40, %get3A_4, %dot_general3A_41 {dimension_numbers = #tpu.dot_dimension_numbers<[1], [0], [0], [1], [0, 0, 1, 1], [], []>, transpose_lhs_hint = false} : vector<2048x128xf32>, vector<128x128xf32>, vector<2048x128xf32> -> vector<2048x128xf32>
    %slice3A_43 = vector.extract_strided_slice %dot_general3A_42 {offsets = [0, 0], sizes = [2048, 2], strides = [1, 1]} : vector<2048x128xf32> to vector<2048x2xf32>
    %get3A_44 = arith.constant 4 : index
    %get3A_45 = arith.constant 0 : index
    %get3A_46 = arith.constant 0 : index
    %get3A_47 = vector.load %arg2[%get3A_44, %get3A_45, %get3A_46] : memref<10x2048x128xf32, #tpu.memory_space<vmem>>, vector<1x2048x128xf32>
    %get3A_48 = vector.shape_cast %get3A_47 : vector<1x2048x128xf32> to vector<2048x128xf32>
    %mul3A_49 = arith.mulf %get3A_48, %get3A_1 : vector<2048x128xf32>
    %dot_general3A_50 = arith.constant dense<0.000000e+00> : vector<2048x128xf32>
    %dot_general3A_51 = tpu.matmul %mul3A_49, %get3A_4, %dot_general3A_50 {dimension_numbers = #tpu.dot_dimension_numbers<[1], [0], [0], [1], [0, 0, 1, 1], [], []>, transpose_lhs_hint = false} : vector<2048x128xf32>, vector<128x128xf32>, vector<2048x128xf32> -> vector<2048x128xf32>
    %slice3A_52 = vector.extract_strided_slice %dot_general3A_51 {offsets = [0, 0], sizes = [2048, 2], strides = [1, 1]} : vector<2048x128xf32> to vector<2048x2xf32>
    %get3A_53 = arith.constant 5 : index
    %get3A_54 = arith.constant 0 : index
    %get3A_55 = arith.constant 0 : index
    %get3A_56 = vector.load %arg2[%get3A_53, %get3A_54, %get3A_55] : memref<10x2048x128xf32, #tpu.memory_space<vmem>>, vector<1x2048x128xf32>
    %get3A_57 = vector.shape_cast %get3A_56 : vector<1x2048x128xf32> to vector<2048x128xf32>
    %mul3A_58 = arith.mulf %get3A_57, %get3A_1 : vector<2048x128xf32>
    %dot_general3A_59 = arith.constant dense<0.000000e+00> : vector<2048x128xf32>
    %dot_general3A_60 = tpu.matmul %mul3A_58, %get3A_4, %dot_general3A_59 {dimension_numbers = #tpu.dot_dimension_numbers<[1], [0], [0], [1], [0, 0, 1, 1], [], []>, transpose_lhs_hint = false} : vector<2048x128xf32>, vector<128x128xf32>, vector<2048x128xf32> -> vector<2048x128xf32>
    %slice3A_61 = vector.extract_strided_slice %dot_general3A_60 {offsets = [0, 0], sizes = [2048, 2], strides = [1, 1]} : vector<2048x128xf32> to vector<2048x2xf32>
    %get3A_62 = arith.constant 6 : index
    %get3A_63 = arith.constant 0 : index
    %get3A_64 = arith.constant 0 : index
    %get3A_65 = vector.load %arg2[%get3A_62, %get3A_63, %get3A_64] : memref<10x2048x128xf32, #tpu.memory_space<vmem>>, vector<1x2048x128xf32>
    %get3A_66 = vector.shape_cast %get3A_65 : vector<1x2048x128xf32> to vector<2048x128xf32>
    %mul3A_67 = arith.mulf %get3A_66, %get3A_1 : vector<2048x128xf32>
    %dot_general3A_68 = arith.constant dense<0.000000e+00> : vector<2048x128xf32>
    %dot_general3A_69 = tpu.matmul %mul3A_67, %get3A_4, %dot_general3A_68 {dimension_numbers = #tpu.dot_dimension_numbers<[1], [0], [0], [1], [0, 0, 1, 1], [], []>, transpose_lhs_hint = false} : vector<2048x128xf32>, vector<128x128xf32>, vector<2048x128xf32> -> vector<2048x128xf32>
    %slice3A_70 = vector.extract_strided_slice %dot_general3A_69 {offsets = [0, 0], sizes = [2048, 2], strides = [1, 1]} : vector<2048x128xf32> to vector<2048x2xf32>
    %get3A_71 = arith.constant 7 : index
    %get3A_72 = arith.constant 0 : index
    %get3A_73 = arith.constant 0 : index
    %get3A_74 = vector.load %arg2[%get3A_71, %get3A_72, %get3A_73] : memref<10x2048x128xf32, #tpu.memory_space<vmem>>, vector<1x2048x128xf32>
    %get3A_75 = vector.shape_cast %get3A_74 : vector<1x2048x128xf32> to vector<2048x128xf32>
    %mul3A_76 = arith.mulf %get3A_75, %get3A_1 : vector<2048x128xf32>
    %dot_general3A_77 = arith.constant dense<0.000000e+00> : vector<2048x128xf32>
    %dot_general3A_78 = tpu.matmul %mul3A_76, %get3A_4, %dot_general3A_77 {dimension_numbers = #tpu.dot_dimension_numbers<[1], [0], [0], [1], [0, 0, 1, 1], [], []>, transpose_lhs_hint = false} : vector<2048x128xf32>, vector<128x128xf32>, vector<2048x128xf32> -> vector<2048x128xf32>
    %slice3A_79 = vector.extract_strided_slice %dot_general3A_78 {offsets = [0, 0], sizes = [2048, 2], strides = [1, 1]} : vector<2048x128xf32> to vector<2048x2xf32>
    %get3A_80 = arith.constant 8 : index
    %get3A_81 = arith.constant 0 : index
    %get3A_82 = arith.constant 0 : index
    %get3A_83 = vector.load %arg2[%get3A_80, %get3A_81, %get3A_82] : memref<10x2048x128xf32, #tpu.memory_space<vmem>>, vector<1x2048x128xf32>
    %get3A_84 = vector.shape_cast %get3A_83 : vector<1x2048x128xf32> to vector<2048x128xf32>
    %mul3A_85 = arith.mulf %get3A_84, %get3A_1 : vector<2048x128xf32>
    %dot_general3A_86 = arith.constant dense<0.000000e+00> : vector<2048x128xf32>
    %dot_general3A_87 = tpu.matmul %mul3A_85, %get3A_4, %dot_general3A_86 {dimension_numbers = #tpu.dot_dimension_numbers<[1], [0], [0], [1], [0, 0, 1, 1], [], []>, transpose_lhs_hint = false} : vector<2048x128xf32>, vector<128x128xf32>, vector<2048x128xf32> -> vector<2048x128xf32>
    %slice3A_88 = vector.extract_strided_slice %dot_general3A_87 {offsets = [0, 0], sizes = [2048, 2], strides = [1, 1]} : vector<2048x128xf32> to vector<2048x2xf32>
    %get3A_89 = arith.constant 9 : index
    %get3A_90 = arith.constant 0 : index
    %get3A_91 = arith.constant 0 : index
    %get3A_92 = vector.load %arg2[%get3A_89, %get3A_90, %get3A_91] : memref<10x2048x128xf32, #tpu.memory_space<vmem>>, vector<1x2048x128xf32>
    %get3A_93 = vector.shape_cast %get3A_92 : vector<1x2048x128xf32> to vector<2048x128xf32>
    %mul3A_94 = arith.mulf %get3A_93, %get3A_1 : vector<2048x128xf32>
    %dot_general3A_95 = arith.constant dense<0.000000e+00> : vector<2048x128xf32>
    %dot_general3A_96 = tpu.matmul %mul3A_94, %get3A_4, %dot_general3A_95 {dimension_numbers = #tpu.dot_dimension_numbers<[1], [0], [0], [1], [0, 0, 1, 1], [], []>, transpose_lhs_hint = false} : vector<2048x128xf32>, vector<128x128xf32>, vector<2048x128xf32> -> vector<2048x128xf32>
    %slice3A_97 = vector.extract_strided_slice %dot_general3A_96 {offsets = [0, 0], sizes = [2048, 2], strides = [1, 1]} : vector<2048x128xf32> to vector<2048x2xf32>
    %neg3A = arith.constant 0.000000e+00 : f32
    %neg3A_98 = vector.broadcast %neg3A : f32 to vector<2048x2xf32>
    %neg3A_99 = arith.subf %neg3A_98, %slice3A_16 : vector<2048x2xf32>
    %neg3A_100 = arith.constant 0.000000e+00 : f32
    %neg3A_101 = vector.broadcast %neg3A_100 : f32 to vector<2048x2xf32>
    %neg3A_102 = arith.subf %neg3A_101, %slice3A_25 : vector<2048x2xf32>
    %neg3A_103 = arith.constant 0.000000e+00 : f32
    %neg3A_104 = vector.broadcast %neg3A_103 : f32 to vector<2048x2xf32>
    %neg3A_105 = arith.subf %neg3A_104, %slice3A_34 : vector<2048x2xf32>
    %neg3A_106 = arith.constant 0.000000e+00 : f32
    %neg3A_107 = vector.broadcast %neg3A_106 : f32 to vector<2048x2xf32>
    %neg3A_108 = arith.subf %neg3A_107, %slice3A_43 : vector<2048x2xf32>
    %neg3A_109 = arith.constant 0.000000e+00 : f32
    %neg3A_110 = vector.broadcast %neg3A_109 : f32 to vector<2048x2xf32>
    %neg3A_111 = arith.subf %neg3A_110, %slice3A_52 : vector<2048x2xf32>
    %neg3A_112 = arith.constant 0.000000e+00 : f32
    %neg3A_113 = vector.broadcast %neg3A_112 : f32 to vector<2048x2xf32>
    %neg3A_114 = arith.subf %neg3A_113, %slice3A_61 : vector<2048x2xf32>
    %neg3A_115 = arith.constant 0.000000e+00 : f32
    %neg3A_116 = vector.broadcast %neg3A_115 : f32 to vector<2048x2xf32>
    %neg3A_117 = arith.subf %neg3A_116, %slice3A_70 : vector<2048x2xf32>
    %neg3A_118 = arith.constant 0.000000e+00 : f32
    %neg3A_119 = vector.broadcast %neg3A_118 : f32 to vector<2048x2xf32>
    %neg3A_120 = arith.subf %neg3A_119, %slice3A_79 : vector<2048x2xf32>
    %neg3A_121 = arith.constant 0.000000e+00 : f32
    %neg3A_122 = vector.broadcast %neg3A_121 : f32 to vector<2048x2xf32>
    %neg3A_123 = arith.subf %neg3A_122, %slice3A_88 : vector<2048x2xf32>
    %neg3A_124 = arith.constant 0.000000e+00 : f32
    %neg3A_125 = vector.broadcast %neg3A_124 : f32 to vector<2048x2xf32>
    %neg3A_126 = arith.subf %neg3A_125, %slice3A_97 : vector<2048x2xf32>
    %concatenate3A = tpu.concatenate %broadcast_in_dim3A, %neg3A_99, %neg3A_102, %neg3A_105, %neg3A_108, %neg3A_111, %neg3A_114, %neg3A_117, %neg3A_120, %neg3A_123, %neg3A_126 in 1 : vector<2048x1xf32>, vector<2048x2xf32>, vector<2048x2xf32>, vector<2048x2xf32>, vector<2048x2xf32>, vector<2048x2xf32>, vector<2048x2xf32>, vector<2048x2xf32>, vector<2048x2xf32>, vector<2048x2xf32>, vector<2048x2xf32> -> vector<2048x21xf32>
    %logistic3A = arith.negf %concatenate3A : vector<2048x21xf32>
    %logistic3A_127 = math.exp %logistic3A : vector<2048x21xf32>
    %logistic3A_128 = arith.constant 1.000000e+00 : f32
    %logistic3A_129 = vector.broadcast %logistic3A_128 : f32 to vector<2048x21xf32>
    %logistic3A_130 = arith.addf %logistic3A_129, %logistic3A_127 : vector<2048x21xf32>
    %logistic3A_131 = arith.divf %logistic3A_129, %logistic3A_130 : vector<2048x21xf32>
    %log3A = math.log %logistic3A_131 : vector<2048x21xf32>
    %reduce_sum3A_132 = vector.shape_cast %log3A : vector<2048x21xf32> to vector<1x2048x21xf32>
    %reduce_sum3A_133 = arith.constant dense<0.000000e+00> : vector<1xf32>
    %reduce_sum3A_134 = vector.multi_reduction <add>, %reduce_sum3A_132, %reduce_sum3A_133 [1, 2] : vector<1x2048x21xf32> to vector<1xf32>
    %reduce_sum3A_135 = vector.shape_cast %reduce_sum3A_134 : vector<1xf32> to vector<1x1x1xf32>
    %reduce_sum3A_136 = vector.extract %reduce_sum3A_135[0, 0, 0] : f32 from vector<1x1x1xf32>
    %eq3A = arith.constant 0 : i32
    %eq3A_137 = arith.cmpi eq, %arg0, %eq3A : i32
    %convert_element_type3A = arith.extui %eq3A_137 : i1 to i32
    %cond3A = arith.constant 0 : i32
    %cond3A_138 = arith.cmpi ne, %convert_element_type3A, %cond3A : i32
    scf.if %cond3A_138 {
      %swap3A_144 = arith.constant 0.000000e+00 : f32
      %swap3A_145 = arith.constant 0 : index
      %swap3A_146 = arith.constant 0 : index
      %swap3A_147 = memref.load %arg5[%swap3A_145, %swap3A_146] : memref<1x1xf32, #tpu.memory_space<smem>>
      memref.store %swap3A_144, %arg5[%swap3A_145, %swap3A_146] : memref<1x1xf32, #tpu.memory_space<smem>>
    } else {
    }
    %get3A_139 = arith.constant 0 : index
    %get3A_140 = arith.constant 0 : index
    %get3A_141 = memref.load %arg5[%get3A_139, %get3A_140] : memref<1x1xf32, #tpu.memory_space<smem>>
    %add3A = arith.addf %get3A_141, %reduce_sum3A_136 : f32
    %swap3A = arith.constant 0 : index
    %swap3A_142 = arith.constant 0 : index
    %swap3A_143 = memref.load %arg5[%swap3A, %swap3A_142] : memref<1x1xf32, #tpu.memory_space<smem>>
    memref.store %add3A, %arg5[%swap3A, %swap3A_142] : memref<1x1xf32, #tpu.memory_space<smem>>
    return
  }
  func.func @transform_0(%arg0: i32) -> (i32, i32) {
    %c0_i32 = arith.constant 0 : i32
    %c0_i32_0 = arith.constant 0 : i32
    return %arg0, %c0_i32 : i32, i32
  }
  func.func @transform_1(%arg0: i32) -> (i32, i32, i32) {
    %c0_i32 = arith.constant 0 : i32
    %c0_i32_0 = arith.constant 0 : i32
    %c0_i32_1 = arith.constant 0 : i32
    return %c0_i32, %arg0, %c0_i32_0 : i32, i32, i32
  }
  func.func @transform_2(%arg0: i32) -> (i32, i32) {
    %c0_i32 = arith.constant 0 : i32
    %c0_i32_0 = arith.constant 0 : i32
    return %arg0, %c0_i32 : i32, i32
  }
  func.func @transform_3(%arg0: i32) -> (i32, i32) {
    %c0_i32 = arith.constant 0 : i32
    %c0_i32_0 = arith.constant 0 : i32
    %c0_i32_1 = arith.constant 0 : i32
    return %c0_i32, %c0_i32_0 : i32, i32
  }
  func.func @transform_4(%arg0: i32) -> (i32, i32) {
    %c0_i32 = arith.constant 0 : i32
    %c0_i32_0 = arith.constant 0 : i32
    %c0_i32_1 = arith.constant 0 : i32
    return %c0_i32, %c0_i32_0 : i32, i32
  }
}

</mosaic_0001>

<sc_bundles>
// kernel: kernel.6.cloned.1.call-start
scs
__scs_entry_jumppad:
0x0: {  	(pc) =	sbr.rel $0x88, $3  }
0x1: {  	(tag) =	ssettag $0x0;
	lr =	simm.s32 $0x1  }
0x2: {  	[smem:$0x3F98] =	sst lr;
	_ =	strace $0xD0000000  }
0x3: {  	_ = 	snop  }
0x4: {  	_ = 	snop  }
0x5: {  	_ = 	snop  }
0x6: {  	_ = 	snop  }
0x7: {  	_ = 	snop  }
__scs_overlays_trampoline_lowered:
0x8: {  	[smem:$0x3FA7] =	sst s0  }
0x9: {  	[smem:$0x3FA8] =	sst s1  }
0xa: {  	[smem:$0x3FA9] =	sst s2  }
0xb: {  	[smem:$0x3FAA] =	sst s3  }
0xc: {  	[smem:$0x3FAB] =	sst s4  }
0xd: {  	[smem:$0x3FAC] =	sst s5  }
0xe: {  	[smem:$0x3FAD] =	sst s6  }
0xf: {  	[smem:$0x3FAE] =	sst s7  }
0x10: {  	[smem:$0x3FAF] =	sst s8  }
0x11: {  	[smem:$0x3FB0] =	sst s9;
	s0 =	simm.s32 @!p0 $0x0  }
0x12: {  	s1 =	sld [smem:$0x3F96];
	s0 =	simm.s32 @p0 $0x1  }
0x13: {  	[smem:$0x3FB1] =	sst s0;
	s0 =	simm.s32 @!p1 $0x0  }
0x14: {  	s2 =	sld [smem:$0x3F95];
	s0 =	simm.s32 @p1 $0x1  }
0x15: {  	[smem:$0x3FB2] =	sst s0;
	s0 =	simm.s32 @!p2 $0x0  }
0x16: {  	s3 =	sld [smem:$0x3FDB];
	s0 =	simm.s32 @p2 $0x1  }
0x17: {  	s4 =	simm.s32 $0x1BF5;
	[smem:$0x3FB4] =	sst s0  }
0x18: {  	s0 =	sld [smem:$0x3F97];
	_ =	swait.ge [sflag:s4], $0x0  }
0x19: {  	s7 =	sld [smem:$0x3F98]  }
0x1a: {  	s8 =	sadd.s32 $0xFFFFE003, lr  }
0x1b: {  	s9 =	sadd.s32 $0xFFFFFEF7, lr;
	s5 =	simm.s32 $0xFFFFFFFF;
	p2 =	slt.u32 s8, $0xFFFFF086  }
0x1c: {  	p1 =	slt.u32 s9, $0xF7A;
	s5 =	simm.s32 @!p2 $0x0  }
0x1d: {  	s5 =	simm.s32 @p1 $0x1;
	p0 =	seq.s32 s7, s2  }
0x1e: {  	s7 =	smul.u32 @!p0 $0xF7A, s2;
	p2 =	seq.s32 @!p0 s5, $0x0  }
0x1f: {  	s9 =	smul.u32 $0xF7A, s1;
	s8 =	simm.s32 @!p0 $0x1BF5;
	p2 =	por !p2, p0  }
0x20: {  	[sflag:s8] =	ssyncset.s32 @!p0 $0xFFFFF086;
	s6 =	sadd.s32 @!p0 s3, s7;
	s7 =	simm.s32 @!p0 $0x108  }
0x21: {  	s3 =	sadd.s32 s3, s9;
	s6 =	sadd.s32 @!p0 $0x88, s6;
	s7 =	simm.s32 @p2 $0x1082  }
0x22: {  	[simem:s7], [sflag:s8] =	dma.local @!p0 [hbm:s6], $0xF7A  }
0x23: {  	s9 =	sor.u32 $0xD0000000, s2;
	s6 =	simm.s32 $0x108;
	_ =	swait.ge @!p0 [sflag:s8], $0x0  }
0x24: {  	s3 =	sadd.s32 $0x88, s3;
	s6 =	simm.s32 @!p1 $0x1082;
	[sflag:s4] =	ssyncset.s32 $0xFFFFF086  }
0x25: {  	[simem:s6], [sflag:s4] =	dma.local [hbm:s3], $0xF7A  }
0x26: {  	[smem:$0x3F98] =	sst s1;
	(tag) =	ssettag s2;
	_ =	strace s9  }
0x27: {  	s1 =	sld [smem:$0x3FA8]  }
0x28: {  	s2 =	sld [smem:$0x3FA9]  }
0x29: {  	s4 =	sld [smem:$0x3FAB]  }
0x2a: {  	p0 =	seq.s32 s5, $0x0;
	s5 =	sld [smem:$0x3FAC]  }
0x2b: {  	s6 =	sld [smem:$0x3FAD]  }
0x2c: {  	s7 =	sld [smem:$0x3FAE]  }
0x2d: {  	s3 =	simm.s32 $0x108;
	s8 =	sld [smem:$0x3FAF]  }
0x2e: {  	s3 =	simm.s32 @!p0 $0x1082;
	s9 =	sld [smem:$0x3FB0]  }
0x2f: {  	lr =	sadd.s32 s0, s3;
	s0 =	sld [smem:$0x3FA7]  }
0x30: {  	s3 =	sld [smem:$0x3FAA]  }
0x31: {  	[smem:$0x3FB3] =	sst s10  }
0x32: {  	s10 =	sld [smem:$0x3FB1];
	_ =	sdelay $0x3  }
0x33: {  	p0 =	seq.s32 s10, $0x1;
	s10 =	sld [smem:$0x3FB3];
	_ =	sdelay $0x3  }
0x34: {  	[smem:$0x3FB3] =	sst s10  }
0x35: {  	s10 =	sld [smem:$0x3FB2];
	_ =	sdelay $0x3  }
0x36: {  	p1 =	seq.s32 s10, $0x1;
	s10 =	sld [smem:$0x3FB3];
	_ =	sdelay $0x3  }
0x37: {  	[smem:$0x3FB3] =	sst s10  }
0x38: {  	s10 =	sld [smem:$0x3FB4]  }
0x39: {  	_ = 	snop;
	(pc) =	sbr.ind lr, $3  }
0x3a: {  	_ = 	snop  }
0x3b: {  	_ = 	snop  }
0x3c: {  	p2 =	seq.s32 s10, $0x1;
	s10 =	sld [smem:$0x3FB3]  }
0x3d: {  	_ =	shalt  }
0x3e: {  	_ =	shalt  }
0x3f: {  	_ =	shalt  }
0x40: {  	_ =	shalt  }
0x41: {  	_ =	shalt  }
0x42: {  	_ =	shalt  }
0x43: {  	_ =	shalt  }
0x44: {  	_ =	shalt  }
0x45: {  	_ =	shalt  }
0x46: {  	_ =	shalt  }
0x47: {  	_ =	shalt  }
0x48: {  	_ =	shalt  }
0x49: {  	_ =	shalt  }
0x4a: {  	_ =	shalt  }
0x4b: {  	_ =	shalt  }
0x4c: {  	_ =	shalt  }
0x4d: {  	_ =	shalt  }
0x4e: {  	_ =	shalt  }
0x4f: {  	_ =	shalt  }
0x50: {  	_ =	shalt  }
0x51: {  	_ =	shalt  }
0x52: {  	_ =	shalt  }
0x53: {  	_ =	shalt  }
0x54: {  	_ =	shalt  }
0x55: {  	_ =	shalt  }
0x56: {  	_ =	shalt  }
0x57: {  	_ =	shalt  }
0x58: {  	_ =	shalt  }
0x59: {  	_ =	shalt  }
0x5a: {  	_ =	shalt  }
0x5b: {  	_ =	shalt  }
0x5c: {  	_ =	shalt  }
0x5d: {  	_ =	shalt  }
0x5e: {  	_ =	shalt  }
0x5f: {  	_ =	shalt  }
0x60: {  	_ =	shalt  }
0x61: {  	_ =	shalt  }
0x62: {  	_ =	shalt  }
0x63: {  	_ =	shalt  }
0x64: {  	_ =	shalt  }
0x65: {  	_ =	shalt  }
0x66: {  	_ =	shalt  }
0x67: {  	_ =	shalt  }
0x68: {  	_ =	shalt  }
0x69: {  	_ =	shalt  }
0x6a: {  	_ =	shalt  }
0x6b: {  	_ =	shalt  }
0x6c: {  	_ =	shalt  }
0x6d: {  	_ =	shalt  }
0x6e: {  	_ =	shalt  }
0x6f: {  	_ =	shalt  }
0x70: {  	_ =	shalt  }
0x71: {  	_ =	shalt  }
0x72: {  	_ =	shalt  }
0x73: {  	_ =	shalt  }
0x74: {  	_ =	shalt  }
0x75: {  	_ =	shalt  }
0x76: {  	_ =	shalt  }
0x77: {  	_ =	shalt  }
0x78: {  	_ =	shalt  }
0x79: {  	_ =	shalt  }
0x7a: {  	_ =	shalt  }
0x7b: {  	_ =	shalt  }
0x7c: {  	_ =	shalt  }
0x7d: {  	_ =	shalt  }
0x7e: {  	_ =	shalt  }
0x7f: {  	_ =	shalt  }
0x80: {  	_ =	shalt  }
0x81: {  	_ =	shalt  }
0x82: {  	_ =	shalt  }
0x83: {  	_ =	shalt  }
0x84: {  	_ =	shalt  }
0x85: {  	_ =	shalt  }
0x86: {  	_ =	shalt  }
0x87: {  	_ =	shalt  }
.Lfunc_end0:
.L_simem_size_0:
called_computation_lowered:
.L_overlay_start_0:
0x88: {  	s2 =	sld [smem:$0x3FD9]  }
0x89: {  	s3 =	sld [smem:$0x3FFE];
	_ =	sdelay $0x1  }
0x8a: {  	s1 =	srdreg.scid  }
0x8b: {  	s0 =	sand.u32 $0x1, s1  }
0x8c: {  	s16 =	sshll.u32 s0, $0xA;
	s2 =	sadd.s32 s3, s2  }
0x8d: {  	s2 =	sadd.s32 s2, s16  }
0x8e: {  	[smem:$0x3FBF] =	sst s2  }
0x8f: {  	_ = 	snop  }
0x90: {  	(tm) =	ssettm $0x1  }
0x91: {  	s17 =	sld [smem:$0x3FFB];
	_ =	sdelay $0x3  }
0x92: {  	_ =	strace s17  }
0x93: {  	s2 =	sld [smem:$0x3FFC];
	_ =	sdelay $0x3  }
0x94: {  	_ =	strace s2  }
0x95: {  	s2 =	sld [smem:$0x3FFD];
	_ =	sdelay $0x3  }
0x96: {  	_ =	strace s2  }
0x97: {  	_ =	strace $0x8FFFFFFF  }
0x98: {  	s18 =	sld [smem:$0x3FDB];
	_ =	sdelay $0x1  }
0x99: {  	s19 =	simm.s32 $_scs_section_size  }
0x9a: {  	s4 =	simm.s32 $_size__tile_overlayer_lowered;
	s5 =	simm.s32 $_tile_overlayer_lowered  }
0x9b: {  	s22 =	simm.s32 $0x1BFF;
	s21 =	sshll.u32 s5, $0x1;
	s2 =	sadd.s32 s19, s18  }
0x9c: {  	s6 =	simm.s32 $0x0;
	s20 =	sshll.u32 s4, $0x1;
	s4 =	sadd.s32 s21, s2  }
0x9d: {  	[timem:s6], [sflag:s22] =	dma.local [hbm:s4], s20  }
0x9e: {  	_ =	swait.ge [sflag:s22], s20  }
0x9f: {  	s3 =	ssub.s32 $0x0, s20;
	[sflag:s22] =	ssyncset.done $0x0  }
0xa0: {  	[sflag:s22] =	ssyncadd.s32 s3;
	_ =	sdelay $0x1  }
0xa1: {  	s23 =	simm.s32 $0x1B8B  }
0xa2: {  	_ =	swait.ge [sflag:s23], $0x1  }
0xa3: {  	[sflag:s23] =	ssyncset.done $0x0  }
0xa4: {  	s25 =	simm.s32 $0x1B8E;
	s24 =	sld [smem:$0x3FFE];
	[sflag:s23] =	ssyncadd.s32 $0xFFFFFFFF  }
0xa5: {  	s26 =	simm.s32 $execute0_lowered;
	[smem:$0x3FD2] =	sst s25  }
0xa6: {  	s4 =	sshll.u32 s26, $0x1;
	_ =	strace $0x80000046;
	[dreg:$0x1] =	wrdreg $0xFFFFFFFF  }
0xa7: {  	s28 =	simm.s32 $_size_execute0_lowered;
	s2 =	sadd.s32 s2, s4;
	[dreg:$0x0] =	wrdreg $0x0  }
0xa8: {  	s4 =	sshll.u32 s28, $0x1;
	[dreg:$0x2] =	wrdreg s2  }
0xa9: {  	[dreg:$0x3] =	wrdreg s4  }
0xaa: {  	[dreg:$0x4] =	wrdreg $0xC0  }
0xab: {  	_ =	task [dreg:s6], $0x5FFFF  }
0xac: {  	[dreg:$0x1] =	wrdreg $0xFFFFFFFF  }
0xad: {  	[dreg:$0x0] =	wrdreg $0x60  }
0xae: {  	[dreg:$0x2] =	wrdreg s24  }
0xaf: {  	[dreg:$0x3] =	wrdreg $0x9  }
0xb0: {  	_ =	task.clear_ibuf [dreg:s6], $0x4FFFF;
	_ =	strace $0x90000046  }
0xb1: {  	s29 =	simm.s32 $0x9;
	_ =	strace $0x80000048  }
0xb2: {  	_ =	swait.ge [sflag:s29], $0x1  }
0xb3: {  	[sflag:s29] =	ssyncadd.s32 $0xFFFFFFFF  }
0xb4: {  	_ =	strace $0x90000048  }
0xb5: {  	_ =	sfence  }
0xb6: {  	s30 =	sld [smem:$0x0];
	_ =	sdelay $0x2  }
0xb7: {  	s31 =	sshll.u32 s1, $0xD;
	s1 =	sshrl.u32 s1, $0x2  }
0xb8: {  	s3 =	sand.u32 $0x4000, s31;
	s1 =	sadd.s32 s1, s30  }
0xb9: {  	s0 =	sor.u32 s3, s0;
	s1 =	sshll.u32 s1, $0x11  }
0xba: {  	s0 =	sor.u32 s1, s0  }
0xbb: {  	s0 =	sadd.s32 $0x8F2B, s0  }
0xbc: {  	[sflag:s0] =	ssyncadd.remote.s32 $0x1  }
0xbd: {  	_ =	sfence.sel $0xFFFF  }
0xbe: {  	[dreg:$0x0] =	wrdreg $0xFFFFFFFF;
	(pc) =	sbr.abs _section_cstart, $3  }
0xbf: {  	[dreg:$0x1] =	wrdreg $0xFFFFFFFF  }
0xc0: {  	_ =	task.clear_ibuf [dreg:s6], $0x2FFFF;
	_ =	strace $0x9FFFFFFF  }
0xc1: {  	(tm) =	ssettm $0x7FFFFFFF  }
tec
execute0_lowered:
.L_overlay_start_1:
0x0: {  	(tag) =	ssettag $0x1  }
0x1: {  	s6 =	rddreg [dreg:$0x0]  }
0x2: {  	s0 =	rddreg [dreg:$0x1]  }
0x3: {  	s2 =	simm.s32 $0x0;
	s3 =	srdreg.scid;
	s1 =	stileid.u32  }
0x4: {  	s15 =	simm.s32 $0x400;
	s16 =	simm.s32 $0x8400;
	s17 =	simm.s32 $0x1  }
0x5: {  	s18 =	simm.s32 $0x40;
	s19 =	simm.s32 $0x80;
	s20 =	simm.s32 $0x2  }
0x6: {  	s21 =	simm.s32 $0x0;
	[smem:$0x7FF] =	sst s2;
	s10 =	sand.u32 $0x1, s3  }
0x7: {  	s3 =	sadd.s32 $0x18F200, s6;
	s5 =	sshll.u32 s1, $0xA;
	s4 =	sadd.s32 $0x3600, s6  }
0x8: {  	s12 =	sadd.s32 $0x8600, s6;
	s14 =	sshll.u32 s1, $0xE;
	s7 =	sshll.u32 s10, $0x9  }
0x9: {  	_ =	strace $0x80000047;
	s8 =	ssub.s32 $0x2, s10;
	s11 =	sor.u32 s7, s5  }
0xa: {  	s10 =	sshll.u32 s10, $0xD;
	s31 =	sshrl.u32 s8, $0x1;
	s7 =	sshrl.u32 s11, $0x3  }
0xb: {  	s8 =	ssub.s32 s8, s31;
	s9 =	sshll.u32 s11, $0x4;
	s11 =	sor.u32 $0x8000, s11  }
0xc: {  	s5 =	sadd.s32 s4, s7;
	s13 =	sadd.s32 s7, s6;
	s6 =	smax.u32 s8, $0x1  }
0xd: {  	s9 =	sadd.s32 s9, s12;
	s12 =	sadd.s32 s14, s12;
	s14 =	simm.s32 $0x200  }
0xe: {  	s7 =	sadd.s32 $0x7E00, s13;
	s8 =	sadd.s32 $0x100000, s9;
	s9 =	sadd.s32 $0x100008, s9  }
0xf: {  	s10 =	sadd.s32 s10, s12;
	s12 =	sadd.s32 $0x3E00, s13;
	s13 =	simm.s32 $0x3  }
.LBB2_1:
0x10: {  	[tilespmem:s2], [sflag:$0x3] =	stream.linear.gather [hbm4b:s5+s2], $0x200, $0x38;
	[tilespmem:$0x10400] =	vst v63  }
0x11: {  	_ =	swait.ge [sflag:s13], $0x200  }
0x12: {  	[sflag:s13] =	ssyncset.done $0x0  }
0x13: {  	[sflag:s13] =	ssyncadd.s32 $0xFFFFFE00  }
0x14: {  	[tilespmem:s15], [sflag:$0x1] =	stream.indirect.gather [hbm4b:s3+s14], $0x40, s2, s14, $0xb8;
	[tilespmem:$0x10400] =	vst v63  }
0x15: {  	s22 =	sadd.s32 $0x0, s12  }
0x16: {  	[tilespmem:s14], [sflag:$0x3] =	stream.linear.gather [hbm4b:s22+s2], $0x200, $0x38;
	[tilespmem:$0x10400] =	vst v63  }
0x17: {  	_ =	swait.ge [sflag:s13], $0x200  }
0x18: {  	[sflag:s13] =	ssyncset.done $0x0  }
0x19: {  	[sflag:s13] =	ssyncadd.s32 $0xFFFFFE00  }
0x1a: {  	[tilespmem:s16], [sflag:$0x2] =	stream.indirect.gather [hbm4b:s3+s14], $0x40, s14, s14, $0xb8;
	[tilespmem:$0x10400] =	vst v63  }
0x1b: {  	_ =	swait.ge [sflag:s17], $0x8000  }
0x1c: {  	[sflag:s17] =	ssyncset.done $0x0  }
0x1d: {  	[sflag:s17] =	ssyncadd.s32 $0xFFFF8000  }
0x1e: {  	[hbm4b:s10+s18] =	stream.strided.scatter [tilespmem:s15], [sflag:$0x3], $0x8000, s19, s18, $0x38;
	[tilespmem:$0x10400] =	vst v63  }
0x1f: {  	_ =	swait.ge [sflag:s13], $0x8000  }
0x20: {  	s30 =	sshrl.u32 s11, $0x3;
	[sflag:s13] =	ssyncset.done $0x0  }
0x21: {  	s22 =	sadd.s32 s4, s30;
	[sflag:s13] =	ssyncadd.s32 $0xFFFF8000  }
0x22: {  	[tilespmem:s2], [sflag:$0x3] =	stream.linear.gather [hbm4b:s22+s2], $0x200, $0x38;
	[tilespmem:$0x10400] =	vst v63  }
0x23: {  	_ =	swait.ge [sflag:s13], $0x200  }
0x24: {  	[sflag:s13] =	ssyncset.done $0x0  }
0x25: {  	[sflag:s13] =	ssyncadd.s32 $0xFFFFFE00  }
0x26: {  	[tilespmem:s15], [sflag:$0x1] =	stream.indirect.gather [hbm4b:s3+s14], $0x40, s2, s14, $0xb8;
	[tilespmem:$0x10400] =	vst v63  }
0x27: {  	_ =	swait.ge [sflag:s20], $0x8000  }
0x28: {  	[sflag:s20] =	ssyncset.done $0x0  }
0x29: {  	s31 =	sadd.s32 $0x8, s10;
	[sflag:s20] =	ssyncadd.s32 $0xFFFF8000  }
0x2a: {  	[hbm4b:s31+s18] =	stream.strided.scatter [tilespmem:s16], [sflag:$0x3], $0x8000, s19, s18, $0x38;
	[tilespmem:$0x10400] =	vst v63  }
0x2b: {  	s24 =	simm.s32 $0x1000;
	s25 =	simm.s32 $0x2000;
	_ =	swait.ge [sflag:s13], $0x8000  }
0x2c: {  	s23 =	sadd.s32 $0x8000, s11;
	s22 =	sadd.s32 $0x40000, s10;
	[sflag:s13] =	ssyncset.done $0x0  }
.LBB2_2:
0x2d: {  	s26 =	sadd.s32 s24, s12  }
0x2e: {  	[sflag:s13] =	ssyncadd.s32 $0xFFFF8000;
	s24 =	smov.u32 s25;
	s28 =	sadd.s32 $0x1000, s25  }
0x2f: {  	[tilespmem:s14], [sflag:$0x3] =	stream.linear.gather [hbm4b:s26+s2], $0x200, $0x38;
	[tilespmem:$0x10400] =	vst v63  }
0x30: {  	p0 =	sne.s32 s25, $0x3000;
	_ =	swait.ge [sflag:s13], $0x200  }
0x31: {  	[sflag:s13] =	ssyncset.done $0x0  }
0x32: {  	[sflag:s13] =	ssyncadd.s32 $0xFFFFFE00  }
0x33: {  	[tilespmem:s16], [sflag:$0x2] =	stream.indirect.gather [hbm4b:s3+s14], $0x40, s14, s14, $0xb8;
	[tilespmem:$0x10400] =	vst v63  }
0x34: {  	_ =	swait.ge [sflag:s17], $0x8000  }
0x35: {  	[sflag:s17] =	ssyncset.done $0x0  }
0x36: {  	[sflag:s17] =	ssyncadd.s32 $0xFFFF8000  }
0x37: {  	[hbm4b:s22+s18] =	stream.strided.scatter [tilespmem:s15], [sflag:$0x3], $0x8000, s19, s18, $0x38;
	[tilespmem:$0x10400] =	vst v63  }
0x38: {  	_ =	swait.ge [sflag:s13], $0x8000  }
0x39: {  	s25 =	sshrl.u32 s23, $0x3;
	[sflag:s13] =	ssyncset.done $0x0  }
0x3a: {  	s25 =	sadd.s32 s4, s25;
	[sflag:s13] =	ssyncadd.s32 $0xFFFF8000  }
0x3b: {  	[tilespmem:s2], [sflag:$0x3] =	stream.linear.gather [hbm4b:s25+s2], $0x200, $0x38;
	[tilespmem:$0x10400] =	vst v63  }
0x3c: {  	_ =	swait.ge [sflag:s13], $0x200  }
0x3d: {  	[sflag:s13] =	ssyncset.done $0x0  }
0x3e: {  	[sflag:s13] =	ssyncadd.s32 $0xFFFFFE00  }
0x3f: {  	[tilespmem:s15], [sflag:$0x1] =	stream.indirect.gather [hbm4b:s3+s14], $0x40, s2, s14, $0xb8;
	[tilespmem:$0x10400] =	vst v63  }
0x40: {  	_ =	swait.ge [sflag:s20], $0x8000  }
.Ltmp0:
0x41: {  	[sflag:s20] =	ssyncset.done $0x0;
	(pc) =	sbr.rel @p0 .LBB2_2-.Ltmp0, $4  }
0x42: {  	s25 =	sadd.s32 $0x8, s22;
	[sflag:s20] =	ssyncadd.s32 $0xFFFF8000  }
0x43: {  	[hbm4b:s25+s18] =	stream.strided.scatter [tilespmem:s16], [sflag:$0x3], $0x8000, s19, s18, $0x38;
	[tilespmem:$0x10400] =	vst v63  }
0x44: {  	s23 =	sadd.s32 $0x8000, s23;
	_ =	swait.ge [sflag:s13], $0x8000  }
0x45: {  	s22 =	sadd.s32 $0x40000, s22;
	s25 =	smov.u32 s28;
	[sflag:s13] =	ssyncset.done $0x0  }
0x46: {  	s24 =	sadd.s32 s24, s12;
	[sflag:s13] =	ssyncadd.s32 $0xFFFF8000  }
0x47: {  	[tilespmem:s14], [sflag:$0x3] =	stream.linear.gather [hbm4b:s24+s2], $0x200, $0x38;
	[tilespmem:$0x10400] =	vst v63  }
0x48: {  	_ =	swait.ge [sflag:s13], $0x200  }
0x49: {  	[sflag:s13] =	ssyncset.done $0x0  }
0x4a: {  	[sflag:s13] =	ssyncadd.s32 $0xFFFFFE00  }
0x4b: {  	[tilespmem:s16], [sflag:$0x2] =	stream.indirect.gather [hbm4b:s3+s14], $0x40, s14, s14, $0xb8;
	[tilespmem:$0x10400] =	vst v63  }
0x4c: {  	_ =	swait.ge [sflag:s17], $0x8000  }
0x4d: {  	[sflag:s17] =	ssyncset.done $0x0  }
0x4e: {  	[sflag:s17] =	ssyncadd.s32 $0xFFFF8000  }
0x4f: {  	[hbm4b:s22+s18] =	stream.strided.scatter [tilespmem:s15], [sflag:$0x3], $0x8000, s19, s18, $0x38;
	[tilespmem:$0x10400] =	vst v63  }
0x50: {  	_ =	swait.ge [sflag:s13], $0x8000  }
0x51: {  	s23 =	sshrl.u32 s23, $0x3;
	[sflag:s13] =	ssyncset.done $0x0  }
0x52: {  	s23 =	sadd.s32 s4, s23;
	[sflag:s13] =	ssyncadd.s32 $0xFFFF8000  }
0x53: {  	[tilespmem:s2], [sflag:$0x3] =	stream.linear.gather [hbm4b:s23+s2], $0x200, $0x38;
	[tilespmem:$0x10400] =	vst v63  }
0x54: {  	_ =	swait.ge [sflag:s13], $0x200  }
0x55: {  	[sflag:s13] =	ssyncset.done $0x0  }
0x56: {  	[sflag:s13] =	ssyncadd.s32 $0xFFFFFE00  }
0x57: {  	[tilespmem:s15], [sflag:$0x1] =	stream.indirect.gather [hbm4b:s3+s14], $0x40, s2, s14, $0xb8;
	[tilespmem:$0x10400] =	vst v63  }
0x58: {  	_ =	swait.ge [sflag:s20], $0x8000  }
0x59: {  	[sflag:s20] =	ssyncset.done $0x0  }
0x5a: {  	s31 =	sadd.s32 $0x8, s22;
	[sflag:s20] =	ssyncadd.s32 $0xFFFF8000  }
0x5b: {  	[hbm4b:s31+s18] =	stream.strided.scatter [tilespmem:s16], [sflag:$0x3], $0x8000, s19, s18, $0x38;
	[tilespmem:$0x10400] =	vst v63  }
0x5c: {  	_ =	swait.ge [sflag:s13], $0x8000  }
0x5d: {  	[sflag:s13] =	ssyncset.done $0x0  }
0x5e: {  	[sflag:s13] =	ssyncadd.s32 $0xFFFF8000  }
0x5f: {  	[tilespmem:s14], [sflag:$0x3] =	stream.linear.gather [hbm4b:s7+s2], $0x200, $0x38;
	[tilespmem:$0x10400] =	vst v63  }
0x60: {  	_ =	swait.ge [sflag:s13], $0x200  }
0x61: {  	[sflag:s13] =	ssyncset.done $0x0  }
0x62: {  	[sflag:s13] =	ssyncadd.s32 $0xFFFFFE00  }
0x63: {  	[tilespmem:s16], [sflag:$0x2] =	stream.indirect.gather [hbm4b:s3+s14], $0x40, s14, s14, $0xb8;
	[tilespmem:$0x10400] =	vst v63  }
0x64: {  	_ =	swait.ge [sflag:s17], $0x8000  }
0x65: {  	[sflag:s17] =	ssyncset.done $0x0  }
0x66: {  	[sflag:s17] =	ssyncadd.s32 $0xFFFF8000  }
0x67: {  	[hbm4b:s8+s18] =	stream.strided.scatter [tilespmem:s15], [sflag:$0x3], $0x8000, s19, s18, $0x38;
	[tilespmem:$0x10400] =	vst v63  }
0x68: {  	_ =	swait.ge [sflag:s13], $0x8000  }
0x69: {  	[sflag:s13] =	ssyncset.done $0x0  }
0x6a: {  	[sflag:s13] =	ssyncadd.s32 $0xFFFF8000  }
0x6b: {  	s21 =	sadd.s32 $0x1, s21;
	_ =	swait.ge [sflag:s20], $0x8000  }
0x6c: {  	p0 =	sne.s32 s21, s6;
	[sflag:s20] =	ssyncset.done $0x0  }
.Ltmp1:
0x6d: {  	[sflag:s20] =	ssyncadd.s32 $0xFFFF8000;
	(pc) =	sbr.rel @p0 .LBB2_1-.Ltmp1, $4  }
0x6e: {  	[hbm4b:s9+s18] =	stream.strided.scatter [tilespmem:s16], [sflag:$0x3], $0x8000, s19, s18, $0x38;
	[tilespmem:$0x10400] =	vst v63  }
0x6f: {  	_ =	swait.ge [sflag:s13], $0x8000  }
0x70: {  	[sflag:s13] =	ssyncset.done $0x0  }
0x71: {  	[sflag:s13] =	ssyncadd.s32 $0xFFFF8000  }
0x72: {  	_ =	sfence.sel $0x180000  }
0x73: {  	[bflag:$0x0] =	sbarrier.arrive $0xFFFF  }
0x74: {  	p0 =	sne.s32 s1, $0x0;
	_ =	strace $0x90000047  }
0x75: {  	s0 =	sadd.s32 @!p0 $0x100000, s0;
	[bflag:$0x2] =	sbarrier.arrive $0xFFFF  }
0x76: {  	[sflag:s0] =	ssyncadd.tile.s32 @!p0 $0x1;
	_ =	shalt  }
.Lfunc_end2:
_tile_overlayer_lowered:
.L_overlay_start_2:
0x77: {  	(tag) =	ssettag $0x2  }
0x78: {  	s0 =	rddreg [dreg:$0x0];
	s2 =	stileid.u32  }
0x79: {  	s1 =	rddreg [dreg:$0x1];
	p0 =	sne.s32 s2, $0x0  }
0x7a: {  	s3 =	rddreg [dreg:$0x2];
	[bflag:$0x3] =	sbarrier.arrive $0xFFFF;
	s2 =	simm.s32 @!p0 $0x1C03  }
0x7b: {  	[timem:s3], [sflag:s2] =	dma.local @!p0 [hbm:s0], s1  }
0x7c: {  	s0 =	simm.s32 @!p0 $0x3  }
0x7d: {  	_ =	swait.ge @!p0 [sflag:s0], s1  }
0x7e: {  	s1 =	ssub.s32 @!p0 $0x0, s1;
	[sflag:s0] =	ssyncset.done @!p0 $0x0  }
0x7f: {  	[sflag:s0] =	ssyncadd.s32 @!p0 s1  }
0x80: {  	[bflag:$0x3] =	sbarrier.arrive $0xFFFF  }
0x81: {  	_ =	shalt  }

// kernel: kernel.9.cloned.1.call-start
scs
__scs_entry_jumppad:
0x0: {  	(pc) =	sbr.rel $0x88, $3  }
0x1: {  	(tag) =	ssettag $0x0;
	lr =	simm.s32 $0x1  }
0x2: {  	[smem:$0x3F98] =	sst lr;
	_ =	strace $0xD0000000  }
0x3: {  	_ = 	snop  }
0x4: {  	_ = 	snop  }
0x5: {  	_ = 	snop  }
0x6: {  	_ = 	snop  }
0x7: {  	_ = 	snop  }
__scs_overlays_trampoline_lowered:
0x8: {  	[smem:$0x3FA7] =	sst s0  }
0x9: {  	[smem:$0x3FA8] =	sst s1  }
0xa: {  	[smem:$0x3FA9] =	sst s2  }
0xb: {  	[smem:$0x3FAA] =	sst s3  }
0xc: {  	[smem:$0x3FAB] =	sst s4  }
0xd: {  	[smem:$0x3FAC] =	sst s5  }
0xe: {  	[smem:$0x3FAD] =	sst s6  }
0xf: {  	[smem:$0x3FAE] =	sst s7  }
0x10: {  	[smem:$0x3FAF] =	sst s8  }
0x11: {  	[smem:$0x3FB0] =	sst s9;
	s0 =	simm.s32 @!p0 $0x0  }
0x12: {  	s1 =	sld [smem:$0x3F96];
	s0 =	simm.s32 @p0 $0x1  }
0x13: {  	[smem:$0x3FB1] =	sst s0;
	s0 =	simm.s32 @!p1 $0x0  }
0x14: {  	s2 =	sld [smem:$0x3F95];
	s0 =	simm.s32 @p1 $0x1  }
0x15: {  	[smem:$0x3FB2] =	sst s0;
	s0 =	simm.s32 @!p2 $0x0  }
0x16: {  	s3 =	sld [smem:$0x3FDB];
	s0 =	simm.s32 @p2 $0x1  }
0x17: {  	s4 =	simm.s32 $0x1BF5;
	[smem:$0x3FB4] =	sst s0  }
0x18: {  	s0 =	sld [smem:$0x3F97];
	_ =	swait.ge [sflag:s4], $0x0  }
0x19: {  	s7 =	sld [smem:$0x3F98]  }
0x1a: {  	s8 =	sadd.s32 $0xFFFFE003, lr  }
0x1b: {  	s9 =	sadd.s32 $0xFFFFFEF7, lr;
	s5 =	simm.s32 $0xFFFFFFFF;
	p2 =	slt.u32 s8, $0xFFFFF086  }
0x1c: {  	p1 =	slt.u32 s9, $0xF7A;
	s5 =	simm.s32 @!p2 $0x0  }
0x1d: {  	s5 =	simm.s32 @p1 $0x1;
	p0 =	seq.s32 s7, s2  }
0x1e: {  	s7 =	smul.u32 @!p0 $0xF7A, s2;
	p2 =	seq.s32 @!p0 s5, $0x0  }
0x1f: {  	s9 =	smul.u32 $0xF7A, s1;
	s8 =	simm.s32 @!p0 $0x1BF5;
	p2 =	por !p2, p0  }
0x20: {  	[sflag:s8] =	ssyncset.s32 @!p0 $0xFFFFF086;
	s6 =	sadd.s32 @!p0 s3, s7;
	s7 =	simm.s32 @!p0 $0x108  }
0x21: {  	s3 =	sadd.s32 s3, s9;
	s6 =	sadd.s32 @!p0 $0x88, s6;
	s7 =	simm.s32 @p2 $0x1082  }
0x22: {  	[simem:s7], [sflag:s8] =	dma.local @!p0 [hbm:s6], $0xF7A  }
0x23: {  	s9 =	sor.u32 $0xD0000000, s2;
	s6 =	simm.s32 $0x108;
	_ =	swait.ge @!p0 [sflag:s8], $0x0  }
0x24: {  	s3 =	sadd.s32 $0x88, s3;
	s6 =	simm.s32 @!p1 $0x1082;
	[sflag:s4] =	ssyncset.s32 $0xFFFFF086  }
0x25: {  	[simem:s6], [sflag:s4] =	dma.local [hbm:s3], $0xF7A  }
0x26: {  	[smem:$0x3F98] =	sst s1;
	(tag) =	ssettag s2;
	_ =	strace s9  }
0x27: {  	s1 =	sld [smem:$0x3FA8]  }
0x28: {  	s2 =	sld [smem:$0x3FA9]  }
0x29: {  	s4 =	sld [smem:$0x3FAB]  }
0x2a: {  	p0 =	seq.s32 s5, $0x0;
	s5 =	sld [smem:$0x3FAC]  }
0x2b: {  	s6 =	sld [smem:$0x3FAD]  }
0x2c: {  	s7 =	sld [smem:$0x3FAE]  }
0x2d: {  	s3 =	simm.s32 $0x108;
	s8 =	sld [smem:$0x3FAF]  }
0x2e: {  	s3 =	simm.s32 @!p0 $0x1082;
	s9 =	sld [smem:$0x3FB0]  }
0x2f: {  	lr =	sadd.s32 s0, s3;
	s0 =	sld [smem:$0x3FA7]  }
0x30: {  	s3 =	sld [smem:$0x3FAA]  }
0x31: {  	[smem:$0x3FB3] =	sst s10  }
0x32: {  	s10 =	sld [smem:$0x3FB1];
	_ =	sdelay $0x3  }
0x33: {  	p0 =	seq.s32 s10, $0x1;
	s10 =	sld [smem:$0x3FB3];
	_ =	sdelay $0x3  }
0x34: {  	[smem:$0x3FB3] =	sst s10  }
0x35: {  	s10 =	sld [smem:$0x3FB2];
	_ =	sdelay $0x3  }
0x36: {  	p1 =	seq.s32 s10, $0x1;
	s10 =	sld [smem:$0x3FB3];
	_ =	sdelay $0x3  }
0x37: {  	[smem:$0x3FB3] =	sst s10  }
0x38: {  	s10 =	sld [smem:$0x3FB4]  }
0x39: {  	_ = 	snop;
	(pc) =	sbr.ind lr, $3  }
0x3a: {  	_ = 	snop  }
0x3b: {  	_ = 	snop  }
0x3c: {  	p2 =	seq.s32 s10, $0x1;
	s10 =	sld [smem:$0x3FB3]  }
0x3d: {  	_ =	shalt  }
0x3e: {  	_ =	shalt  }
0x3f: {  	_ =	shalt  }
0x40: {  	_ =	shalt  }
0x41: {  	_ =	shalt  }
0x42: {  	_ =	shalt  }
0x43: {  	_ =	shalt  }
0x44: {  	_ =	shalt  }
0x45: {  	_ =	shalt  }
0x46: {  	_ =	shalt  }
0x47: {  	_ =	shalt  }
0x48: {  	_ =	shalt  }
0x49: {  	_ =	shalt  }
0x4a: {  	_ =	shalt  }
0x4b: {  	_ =	shalt  }
0x4c: {  	_ =	shalt  }
0x4d: {  	_ =	shalt  }
0x4e: {  	_ =	shalt  }
0x4f: {  	_ =	shalt  }
0x50: {  	_ =	shalt  }
0x51: {  	_ =	shalt  }
0x52: {  	_ =	shalt  }
0x53: {  	_ =	shalt  }
0x54: {  	_ =	shalt  }
0x55: {  	_ =	shalt  }
0x56: {  	_ =	shalt  }
0x57: {  	_ =	shalt  }
0x58: {  	_ =	shalt  }
0x59: {  	_ =	shalt  }
0x5a: {  	_ =	shalt  }
0x5b: {  	_ =	shalt  }
0x5c: {  	_ =	shalt  }
0x5d: {  	_ =	shalt  }
0x5e: {  	_ =	shalt  }
0x5f: {  	_ =	shalt  }
0x60: {  	_ =	shalt  }
0x61: {  	_ =	shalt  }
0x62: {  	_ =	shalt  }
0x63: {  	_ =	shalt  }
0x64: {  	_ =	shalt  }
0x65: {  	_ =	shalt  }
0x66: {  	_ =	shalt  }
0x67: {  	_ =	shalt  }
0x68: {  	_ =	shalt  }
0x69: {  	_ =	shalt  }
0x6a: {  	_ =	shalt  }
0x6b: {  	_ =	shalt  }
0x6c: {  	_ =	shalt  }
0x6d: {  	_ =	shalt  }
0x6e: {  	_ =	shalt  }
0x6f: {  	_ =	shalt  }
0x70: {  	_ =	shalt  }
0x71: {  	_ =	shalt  }
0x72: {  	_ =	shalt  }
0x73: {  	_ =	shalt  }
0x74: {  	_ =	shalt  }
0x75: {  	_ =	shalt  }
0x76: {  	_ =	shalt  }
0x77: {  	_ =	shalt  }
0x78: {  	_ =	shalt  }
0x79: {  	_ =	shalt  }
0x7a: {  	_ =	shalt  }
0x7b: {  	_ =	shalt  }
0x7c: {  	_ =	shalt  }
0x7d: {  	_ =	shalt  }
0x7e: {  	_ =	shalt  }
0x7f: {  	_ =	shalt  }
0x80: {  	_ =	shalt  }
0x81: {  	_ =	shalt  }
0x82: {  	_ =	shalt  }
0x83: {  	_ =	shalt  }
0x84: {  	_ =	shalt  }
0x85: {  	_ =	shalt  }
0x86: {  	_ =	shalt  }
0x87: {  	_ =	shalt  }
.Lfunc_end0:
.L_simem_size_0:
called_computation.1_lowered:
.L_overlay_start_0:
0x88: {  	s2 =	sld [smem:$0x3FD9]  }
0x89: {  	s3 =	sld [smem:$0x3FFE];
	_ =	sdelay $0x1  }
0x8a: {  	s1 =	srdreg.scid  }
0x8b: {  	s0 =	sand.u32 $0x1, s1  }
0x8c: {  	s17 =	sshll.u32 s0, $0xA;
	s2 =	sadd.s32 s3, s2  }
0x8d: {  	s2 =	sadd.s32 s2, s17  }
0x8e: {  	[smem:$0x3FBF] =	sst s2  }
0x8f: {  	_ = 	snop  }
0x90: {  	s2 =	sld [smem:$0x3FC9];
	(tm) =	ssettm $0x1  }
0x91: {  	s18 =	sld [smem:$0x3FFB];
	_ =	sdelay $0x3  }
0x92: {  	_ =	strace s18  }
0x93: {  	s3 =	sld [smem:$0x3FFC];
	_ =	sdelay $0x3  }
0x94: {  	_ =	strace s3  }
0x95: {  	s3 =	sld [smem:$0x3FFD];
	_ =	sdelay $0x3  }
0x96: {  	_ =	strace s3  }
0x97: {  	_ =	strace $0x8FFFFFFF  }
0x98: {  	s19 =	sld [smem:$0x3FDB];
	_ =	sdelay $0x1  }
0x99: {  	s4 =	simm.s32 $_scs_section_size  }
0x9a: {  	s5 =	simm.s32 $_size__tile_overlayer_lowered;
	s6 =	simm.s32 $_tile_overlayer_lowered  }
0x9b: {  	s22 =	simm.s32 $0x1BFF;
	s21 =	sshll.u32 s6, $0x1;
	s3 =	sadd.s32 s4, s19  }
0x9c: {  	s7 =	simm.s32 $0x0;
	s20 =	sshll.u32 s5, $0x1;
	s5 =	sadd.s32 s21, s3  }
0x9d: {  	[timem:s7], [sflag:s22] =	dma.local [hbm:s5], s20  }
0x9e: {  	_ =	swait.ge [sflag:s22], s20  }
0x9f: {  	s4 =	ssub.s32 $0x0, s20;
	[sflag:s22] =	ssyncset.done $0x0  }
0xa0: {  	[sflag:s22] =	ssyncadd.s32 s4;
	_ =	sdelay $0x1  }
0xa1: {  	s23 =	simm.s32 $0x1B8B  }
0xa2: {  	_ =	swait.ge [sflag:s23], $0x1  }
0xa3: {  	[sflag:s23] =	ssyncset.done $0x0  }
0xa4: {  	s25 =	simm.s32 $0x1B8E;
	s24 =	sld [smem:$0x3FFE];
	[sflag:s23] =	ssyncadd.s32 $0xFFFFFFFF  }
0xa5: {  	s26 =	simm.s32 $execute0_lowered;
	[smem:$0x3FD2] =	sst s25  }
0xa6: {  	s5 =	sshll.u32 s26, $0x1;
	_ =	strace $0x80000049;
	[dreg:$0x1] =	wrdreg $0xFFFFFFFF  }
0xa7: {  	s28 =	simm.s32 $_size_execute0_lowered;
	s3 =	sadd.s32 s3, s5;
	[dreg:$0x0] =	wrdreg $0x0  }
0xa8: {  	s5 =	sshll.u32 s28, $0x1;
	[dreg:$0x2] =	wrdreg s3  }
0xa9: {  	[dreg:$0x3] =	wrdreg s5  }
0xaa: {  	[dreg:$0x4] =	wrdreg $0xC0  }
0xab: {  	_ =	task [dreg:s7], $0x5FFFF  }
0xac: {  	[dreg:$0x1] =	wrdreg $0xFFFFFFFF  }
0xad: {  	[dreg:$0x0] =	wrdreg $0x60  }
0xae: {  	[dreg:$0x2] =	wrdreg s24  }
0xaf: {  	[dreg:$0x3] =	wrdreg s2  }
0xb0: {  	[dreg:$0x4] =	wrdreg $0x9  }
0xb1: {  	_ =	task.clear_ibuf [dreg:s7], $0x5FFFF;
	_ =	strace $0x90000049  }
0xb2: {  	s29 =	simm.s32 $0x9;
	_ =	strace $0x8000004B  }
0xb3: {  	_ =	swait.ge [sflag:s29], $0x1  }
0xb4: {  	[sflag:s29] =	ssyncadd.s32 $0xFFFFFFFF  }
0xb5: {  	_ =	strace $0x9000004B  }
0xb6: {  	_ =	sfence  }
0xb7: {  	s30 =	sld [smem:$0x0];
	_ =	sdelay $0x2  }
0xb8: {  	s31 =	sshll.u32 s1, $0xD;
	s1 =	sshrl.u32 s1, $0x2  }
0xb9: {  	s3 =	sand.u32 $0x4000, s31;
	s1 =	sadd.s32 s1, s30  }
0xba: {  	s0 =	sor.u32 s3, s0;
	s1 =	sshll.u32 s1, $0x11  }
0xbb: {  	s0 =	sor.u32 s1, s0  }
0xbc: {  	s0 =	sadd.s32 $0x8F2B, s0  }
0xbd: {  	[sflag:s0] =	ssyncadd.remote.s32 $0x1  }
0xbe: {  	_ =	sfence.sel $0xFFFF  }
0xbf: {  	[dreg:$0x0] =	wrdreg $0xFFFFFFFF;
	(pc) =	sbr.abs _section_cstart, $3  }
0xc0: {  	[dreg:$0x1] =	wrdreg $0xFFFFFFFF  }
0xc1: {  	_ =	task.clear_ibuf [dreg:s7], $0x2FFFF;
	_ =	strace $0x9FFFFFFF  }
0xc2: {  	(tm) =	ssettm $0x7FFFFFFF  }
0xc3: {  	_ =	shalt  }
tec
execute0_lowered:
.L_overlay_start_1:
0x0: {  	(tag) =	ssettag $0x1  }
0x1: {  	s5 =	rddreg [dreg:$0x0]  }
0x2: {  	s6 =	rddreg [dreg:$0x1];
	s2 =	srdreg.scid  }
0x3: {  	s0 =	rddreg [dreg:$0x2];
	s1 =	stileid.u32  }
0x4: {  	s16 =	simm.s32 $0x400;
	s17 =	simm.s32 $0x1;
	s18 =	simm.s32 $0x8400  }
0x5: {  	s19 =	simm.s32 $0x40;
	s20 =	simm.s32 $0x80;
	s21 =	simm.s32 $0x2  }
0x6: {  	s22 =	simm.s32 $0x0;
	s11 =	sand.u32 $0x1, s2;
	s2 =	simm.s32 $0x0  }
0x7: {  	s3 =	sshll.u32 s1, $0xA;
	s12 =	sadd.s32 $0x49CA00, s5;
	s15 =	sshll.u32 s1, $0xE  }
0x8: {  	s4 =	sshll.u32 s11, $0x9;
	[smem:$0x7FF] =	sst s2;
	s8 =	ssub.s32 $0x2, s11  }
0x9: {  	s31 =	sshll.u32 s11, $0xD;
	s13 =	sor.u32 s4, s3;
	_ =	strace $0x8000004A  }
0xa: {  	s3 =	sadd.s32 $0x3D9400, s5;
	s4 =	sadd.s32 $0x148600, s5;
	s30 =	sshrl.u32 s8, $0x1  }
0xb: {  	s7 =	sshll.u32 s13, $0x3;
	s9 =	sshrl.u32 s13, $0x3;
	s8 =	ssub.s32 s8, s30  }
0xc: {  	s10 =	sshll.u32 s13, $0x4;
	s13 =	sor.u32 $0x8000, s13;
	s7 =	sadd.s32 s7, s5  }
0xd: {  	s5 =	sadd.s32 s6, s9;
	s8 =	smax.u32 s8, $0x1;
	s14 =	sadd.s32 s10, s12  }
0xe: {  	s12 =	sadd.s32 s15, s12;
	s15 =	simm.s32 $0x200;
	s6 =	sadd.s32 $0x152600, s7  }
0xf: {  	s7 =	sadd.s32 s4, s9;
	s10 =	sadd.s32 $0x240000, s14;
	s11 =	sadd.s32 $0x240008, s14  }
0x10: {  	s12 =	sadd.s32 s31, s12;
	s14 =	simm.s32 $0x3;
	s9 =	sadd.s32 $0x9800, s7  }
.LBB2_1:
0x11: {  	[tilespmem:s2], [sflag:$0x3] =	stream.linear.gather [hbm4b:s5+s2], $0x200, $0x38;
	[tilespmem:$0x10400] =	vst v63  }
0x12: {  	_ =	swait.ge [sflag:s14], $0x200  }
0x13: {  	[sflag:s14] =	ssyncset.done $0x0  }
0x14: {  	[sflag:s14] =	ssyncadd.s32 $0xFFFFFE00  }
0x15: {  	[tilespmem:s16], [sflag:$0x1] =	stream.indirect.gather [hbm4b:s3+s15], $0x40, s2, s15, $0xb8;
	[tilespmem:$0x10400] =	vst v63  }
0x16: {  	_ =	swait.ge [sflag:s17], $0x8000  }
0x17: {  	[sflag:s17] =	ssyncset.done $0x0  }
0x18: {  	[sflag:s17] =	ssyncadd.s32 $0xFFFF8000  }
0x19: {  	[hbm4b:s6+s2] =	stream.linear.scatter [tilespmem:s16], [sflag:$0x3], $0x8000, $0x38;
	[tilespmem:$0x10400] =	vst v63  }
0x1a: {  	_ =	swait.ge [sflag:s14], $0x8000  }
0x1b: {  	[sflag:s14] =	ssyncset.done $0x0  }
0x1c: {  	[sflag:s14] =	ssyncadd.s32 $0xFFFF8000  }
0x1d: {  	[tilespmem:s2], [sflag:$0x3] =	stream.linear.gather [hbm4b:s7+s2], $0x200, $0x38;
	[tilespmem:$0x10400] =	vst v63  }
0x1e: {  	_ =	swait.ge [sflag:s14], $0x200  }
0x1f: {  	[sflag:s14] =	ssyncset.done $0x0  }
0x20: {  	[sflag:s14] =	ssyncadd.s32 $0xFFFFFE00  }
0x21: {  	[tilespmem:s16], [sflag:$0x1] =	stream.indirect.gather [hbm4b:s3+s15], $0x40, s2, s15, $0xb8;
	[tilespmem:$0x10400] =	vst v63  }
0x22: {  	s23 =	sadd.s32 $0x800, s7  }
0x23: {  	[tilespmem:s15], [sflag:$0x3] =	stream.linear.gather [hbm4b:s23+s2], $0x200, $0x38;
	[tilespmem:$0x10400] =	vst v63  }
0x24: {  	_ =	swait.ge [sflag:s14], $0x200  }
0x25: {  	[sflag:s14] =	ssyncset.done $0x0  }
0x26: {  	[sflag:s14] =	ssyncadd.s32 $0xFFFFFE00  }
0x27: {  	[tilespmem:s18], [sflag:$0x2] =	stream.indirect.gather [hbm4b:s3+s15], $0x40, s15, s15, $0xb8;
	[tilespmem:$0x10400] =	vst v63  }
0x28: {  	_ =	swait.ge [sflag:s17], $0x8000  }
0x29: {  	[sflag:s17] =	ssyncset.done $0x0  }
0x2a: {  	[sflag:s17] =	ssyncadd.s32 $0xFFFF8000  }
0x2b: {  	[hbm4b:s12+s19] =	stream.strided.scatter [tilespmem:s16], [sflag:$0x3], $0x8000, s20, s19, $0x38;
	[tilespmem:$0x10400] =	vst v63  }
0x2c: {  	_ =	swait.ge [sflag:s14], $0x8000  }
0x2d: {  	s30 =	sshrl.u32 s13, $0x3;
	[sflag:s14] =	ssyncset.done $0x0  }
0x2e: {  	s23 =	sadd.s32 s4, s30;
	[sflag:s14] =	ssyncadd.s32 $0xFFFF8000  }
0x2f: {  	[tilespmem:s2], [sflag:$0x3] =	stream.linear.gather [hbm4b:s23+s2], $0x200, $0x38;
	[tilespmem:$0x10400] =	vst v63  }
0x30: {  	_ =	swait.ge [sflag:s14], $0x200  }
0x31: {  	[sflag:s14] =	ssyncset.done $0x0  }
0x32: {  	[sflag:s14] =	ssyncadd.s32 $0xFFFFFE00  }
0x33: {  	[tilespmem:s16], [sflag:$0x1] =	stream.indirect.gather [hbm4b:s3+s15], $0x40, s2, s15, $0xb8;
	[tilespmem:$0x10400] =	vst v63  }
0x34: {  	_ =	swait.ge [sflag:s21], $0x8000  }
0x35: {  	[sflag:s21] =	ssyncset.done $0x0  }
0x36: {  	s31 =	sadd.s32 $0x8, s12;
	[sflag:s21] =	ssyncadd.s32 $0xFFFF8000  }
0x37: {  	[hbm4b:s31+s19] =	stream.strided.scatter [tilespmem:s18], [sflag:$0x3], $0x8000, s20, s19, $0x38;
	[tilespmem:$0x10400] =	vst v63  }
0x38: {  	s25 =	simm.s32 $0x1800;
	s26 =	simm.s32 $0x2800;
	_ =	swait.ge [sflag:s14], $0x8000  }
0x39: {  	s24 =	sadd.s32 $0x8000, s13;
	s23 =	sadd.s32 $0x40000, s12;
	[sflag:s14] =	ssyncset.done $0x0  }
.LBB2_2:
0x3a: {  	s28 =	sadd.s32 s25, s7  }
0x3b: {  	[sflag:s14] =	ssyncadd.s32 $0xFFFF8000;
	s25 =	smov.u32 s26;
	s29 =	sadd.s32 $0x1000, s26  }
0x3c: {  	[tilespmem:s15], [sflag:$0x3] =	stream.linear.gather [hbm4b:s28+s2], $0x200, $0x38;
	[tilespmem:$0x10400] =	vst v63  }
0x3d: {  	p0 =	sne.s32 s26, $0x8800;
	_ =	swait.ge [sflag:s14], $0x200  }
0x3e: {  	[sflag:s14] =	ssyncset.done $0x0  }
0x3f: {  	[sflag:s14] =	ssyncadd.s32 $0xFFFFFE00  }
0x40: {  	[tilespmem:s18], [sflag:$0x2] =	stream.indirect.gather [hbm4b:s3+s15], $0x40, s15, s15, $0xb8;
	[tilespmem:$0x10400] =	vst v63  }
0x41: {  	_ =	swait.ge [sflag:s17], $0x8000  }
0x42: {  	[sflag:s17] =	ssyncset.done $0x0  }
0x43: {  	[sflag:s17] =	ssyncadd.s32 $0xFFFF8000  }
0x44: {  	[hbm4b:s23+s19] =	stream.strided.scatter [tilespmem:s16], [sflag:$0x3], $0x8000, s20, s19, $0x38;
	[tilespmem:$0x10400] =	vst v63  }
0x45: {  	_ =	swait.ge [sflag:s14], $0x8000  }
0x46: {  	s26 =	sshrl.u32 s24, $0x3;
	[sflag:s14] =	ssyncset.done $0x0  }
0x47: {  	s26 =	sadd.s32 s4, s26;
	[sflag:s14] =	ssyncadd.s32 $0xFFFF8000  }
0x48: {  	[tilespmem:s2], [sflag:$0x3] =	stream.linear.gather [hbm4b:s26+s2], $0x200, $0x38;
	[tilespmem:$0x10400] =	vst v63  }
0x49: {  	_ =	swait.ge [sflag:s14], $0x200  }
0x4a: {  	[sflag:s14] =	ssyncset.done $0x0  }
0x4b: {  	[sflag:s14] =	ssyncadd.s32 $0xFFFFFE00  }
0x4c: {  	[tilespmem:s16], [sflag:$0x1] =	stream.indirect.gather [hbm4b:s3+s15], $0x40, s2, s15, $0xb8;
	[tilespmem:$0x10400] =	vst v63  }
0x4d: {  	_ =	swait.ge [sflag:s21], $0x8000  }
.Ltmp0:
0x4e: {  	[sflag:s21] =	ssyncset.done $0x0;
	(pc) =	sbr.rel @p0 .LBB2_2-.Ltmp0, $4  }
0x4f: {  	s26 =	sadd.s32 $0x8, s23;
	[sflag:s21] =	ssyncadd.s32 $0xFFFF8000  }
0x50: {  	[hbm4b:s26+s19] =	stream.strided.scatter [tilespmem:s18], [sflag:$0x3], $0x8000, s20, s19, $0x38;
	[tilespmem:$0x10400] =	vst v63  }
0x51: {  	s24 =	sadd.s32 $0x8000, s24;
	_ =	swait.ge [sflag:s14], $0x8000  }
0x52: {  	s23 =	sadd.s32 $0x40000, s23;
	s26 =	smov.u32 s29;
	[sflag:s14] =	ssyncset.done $0x0  }
0x53: {  	s25 =	sadd.s32 s25, s7;
	[sflag:s14] =	ssyncadd.s32 $0xFFFF8000  }
0x54: {  	[tilespmem:s15], [sflag:$0x3] =	stream.linear.gather [hbm4b:s25+s2], $0x200, $0x38;
	[tilespmem:$0x10400] =	vst v63  }
0x55: {  	_ =	swait.ge [sflag:s14], $0x200  }
0x56: {  	[sflag:s14] =	ssyncset.done $0x0  }
0x57: {  	[sflag:s14] =	ssyncadd.s32 $0xFFFFFE00  }
0x58: {  	[tilespmem:s18], [sflag:$0x2] =	stream.indirect.gather [hbm4b:s3+s15], $0x40, s15, s15, $0xb8;
	[tilespmem:$0x10400] =	vst v63  }
0x59: {  	_ =	swait.ge [sflag:s17], $0x8000  }
0x5a: {  	[sflag:s17] =	ssyncset.done $0x0  }
0x5b: {  	[sflag:s17] =	ssyncadd.s32 $0xFFFF8000  }
0x5c: {  	[hbm4b:s23+s19] =	stream.strided.scatter [tilespmem:s16], [sflag:$0x3], $0x8000, s20, s19, $0x38;
	[tilespmem:$0x10400] =	vst v63  }
0x5d: {  	_ =	swait.ge [sflag:s14], $0x8000  }
0x5e: {  	s24 =	sshrl.u32 s24, $0x3;
	[sflag:s14] =	ssyncset.done $0x0  }
0x5f: {  	s24 =	sadd.s32 s4, s24;
	[sflag:s14] =	ssyncadd.s32 $0xFFFF8000  }
0x60: {  	[tilespmem:s2], [sflag:$0x3] =	stream.linear.gather [hbm4b:s24+s2], $0x200, $0x38;
	[tilespmem:$0x10400] =	vst v63  }
0x61: {  	_ =	swait.ge [sflag:s14], $0x200  }
0x62: {  	[sflag:s14] =	ssyncset.done $0x0  }
0x63: {  	[sflag:s14] =	ssyncadd.s32 $0xFFFFFE00  }
0x64: {  	[tilespmem:s16], [sflag:$0x1] =	stream.indirect.gather [hbm4b:s3+s15], $0x40, s2, s15, $0xb8;
	[tilespmem:$0x10400] =	vst v63  }
0x65: {  	_ =	swait.ge [sflag:s21], $0x8000  }
0x66: {  	[sflag:s21] =	ssyncset.done $0x0  }
0x67: {  	s31 =	sadd.s32 $0x8, s23;
	[sflag:s21] =	ssyncadd.s32 $0xFFFF8000  }
0x68: {  	[hbm4b:s31+s19] =	stream.strided.scatter [tilespmem:s18], [sflag:$0x3], $0x8000, s20, s19, $0x38;
	[tilespmem:$0x10400] =	vst v63  }
0x69: {  	_ =	swait.ge [sflag:s14], $0x8000  }
0x6a: {  	[sflag:s14] =	ssyncset.done $0x0  }
0x6b: {  	[sflag:s14] =	ssyncadd.s32 $0xFFFF8000  }
0x6c: {  	[tilespmem:s15], [sflag:$0x3] =	stream.linear.gather [hbm4b:s9+s2], $0x200, $0x38;
	[tilespmem:$0x10400] =	vst v63  }
0x6d: {  	_ =	swait.ge [sflag:s14], $0x200  }
0x6e: {  	[sflag:s14] =	ssyncset.done $0x0  }
0x6f: {  	[sflag:s14] =	ssyncadd.s32 $0xFFFFFE00  }
0x70: {  	[tilespmem:s18], [sflag:$0x2] =	stream.indirect.gather [hbm4b:s3+s15], $0x40, s15, s15, $0xb8;
	[tilespmem:$0x10400] =	vst v63  }
0x71: {  	_ =	swait.ge [sflag:s17], $0x8000  }
0x72: {  	[sflag:s17] =	ssyncset.done $0x0  }
0x73: {  	[sflag:s17] =	ssyncadd.s32 $0xFFFF8000  }
0x74: {  	[hbm4b:s10+s19] =	stream.strided.scatter [tilespmem:s16], [sflag:$0x3], $0x8000, s20, s19, $0x38;
	[tilespmem:$0x10400] =	vst v63  }
0x75: {  	_ =	swait.ge [sflag:s14], $0x8000  }
0x76: {  	[sflag:s14] =	ssyncset.done $0x0  }
0x77: {  	[sflag:s14] =	ssyncadd.s32 $0xFFFF8000  }
0x78: {  	s22 =	sadd.s32 $0x1, s22;
	_ =	swait.ge [sflag:s21], $0x8000  }
0x79: {  	p0 =	sne.s32 s22, s8;
	[sflag:s21] =	ssyncset.done $0x0  }
.Ltmp1:
0x7a: {  	[sflag:s21] =	ssyncadd.s32 $0xFFFF8000;
	(pc) =	sbr.rel @p0 .LBB2_1-.Ltmp1, $4  }
0x7b: {  	[hbm4b:s11+s19] =	stream.strided.scatter [tilespmem:s18], [sflag:$0x3], $0x8000, s20, s19, $0x38;
	[tilespmem:$0x10400] =	vst v63  }
0x7c: {  	_ =	swait.ge [sflag:s14], $0x8000  }
0x7d: {  	[sflag:s14] =	ssyncset.done $0x0  }
0x7e: {  	[sflag:s14] =	ssyncadd.s32 $0xFFFF8000  }
0x7f: {  	_ =	sfence.sel $0x180000  }
0x80: {  	[bflag:$0x0] =	sbarrier.arrive $0xFFFF  }
0x81: {  	p0 =	sne.s32 s1, $0x0;
	_ =	strace $0x9000004A  }
0x82: {  	s0 =	sadd.s32 @!p0 $0x100000, s0;
	[bflag:$0x2] =	sbarrier.arrive $0xFFFF  }
0x83: {  	[sflag:s0] =	ssyncadd.tile.s32 @!p0 $0x1;
	_ =	shalt  }
.Lfunc_end2:
_tile_overlayer_lowered:
.L_overlay_start_2:
0x84: {  	(tag) =	ssettag $0x2  }
0x85: {  	s0 =	rddreg [dreg:$0x0];
	s2 =	stileid.u32  }
0x86: {  	s1 =	rddreg [dreg:$0x1];
	p0 =	sne.s32 s2, $0x0  }
0x87: {  	s3 =	rddreg [dreg:$0x2];
	[bflag:$0x3] =	sbarrier.arrive $0xFFFF;
	s2 =	simm.s32 @!p0 $0x1C03  }
0x88: {  	[timem:s3], [sflag:s2] =	dma.local @!p0 [hbm:s0], s1  }
0x89: {  	s0 =	simm.s32 @!p0 $0x3  }
0x8a: {  	_ =	swait.ge @!p0 [sflag:s0], s1  }
0x8b: {  	s1 =	ssub.s32 @!p0 $0x0, s1;
	[sflag:s0] =	ssyncset.done @!p0 $0x0  }
0x8c: {  	[sflag:s0] =	ssyncadd.s32 @!p0 s1  }
0x8d: {  	[bflag:$0x3] =	sbarrier.arrive $0xFFFF  }
0x8e: {  	_ =	shalt  }

</sc_bundles>
